<compile_context>
chip_gen: v7x
topology: tpu7x:2x2x1
jax: 0.10.2.dev20260603
libtpu: 0.0.44.dev20260713+nightly
codegen_flags: <defaults>
</compile_context>

<pallas_src>
import functools

import jax
import jax.numpy as jnp
from jax import lax
from jax.experimental import pallas as pl
from jax.experimental.pallas import tpu as pltpu
from jax.experimental.pallas import tpu_sc as plsc

_TILE = 1024


def _one_batch(px_ref, gxt_ref, out_ref, k):
    gxt2 = gxt_ref[k]
    n1 = px_ref.shape[1]
    n2 = gxt2.shape[1]
    y2 = 0.25 * jnp.sum(gxt2 * gxt2, axis=0, keepdims=True)

    y2_hi = y2.astype(jnp.bfloat16).astype(jnp.float32)
    y2_lo = y2 - y2_hi
    ones_row = jnp.ones((1, n2), dtype=jnp.float32)
    rhs = jnp.concatenate([gxt2, y2_hi, y2_lo, ones_row, ones_row],
                          axis=0)

    px = px_ref[k]
    x2 = jnp.sum(px * px, axis=1, keepdims=True)
    x2_hi = x2.astype(jnp.bfloat16).astype(jnp.float32)
    x2_lo = x2 - x2_hi
    ones_col = jnp.ones((n1, 1), dtype=jnp.float32)
    lhs = jnp.concatenate([px, ones_col, ones_col, x2_hi, x2_lo],
                          axis=1)

    sum_x = jnp.zeros((1, 1), dtype=jnp.float32)
    min_f = jnp.full((1, n2), jnp.inf, dtype=jnp.bfloat16)
    for i in range(n1 // _TILE):
        lhs_t = lhs[i * _TILE:(i + 1) * _TILE]
        d_t = lax.dot_general(lhs_t, rhs, (((1,), (0,)), ((), ())),
                              preferred_element_type=jnp.float32
                              ).astype(jnp.bfloat16)
        cham_x_t = jnp.maximum(
            jnp.min(d_t, axis=1, keepdims=True).astype(jnp.float32), 0.0)
        sum_x = sum_x + jnp.sum(cham_x_t, axis=(0, 1), keepdims=True)
        min_f = jnp.minimum(min_f, jnp.min(d_t, axis=0, keepdims=True))
    cham_y = jnp.maximum(min_f.astype(jnp.float32), 0.0)
    out_ref[k, :, :] = (sum_x / n1
                        + jnp.sum(cham_y, axis=(0, 1), keepdims=True) / n2)


_BATCHES_PER_STEP = 4


def _chamfer_body(px_ref, gxt_ref, out_ref):
    for k in range(_BATCHES_PER_STEP):
        _one_batch(px_ref, gxt_ref, out_ref, k)


def _tc_chamfer(pred_points, gt_points):
    B, N, D = pred_points.shape
    gt_t = jnp.swapaxes(gt_points, 1, 2) * jnp.float32(-2.0)
    g = _BATCHES_PER_STEP
    per_batch = pl.pallas_call(
        _chamfer_body,
        grid=(B // g,),
        in_specs=[
            pl.BlockSpec((g, N, D), lambda b: (b, 0, 0)),
            pl.BlockSpec((g, D, gt_t.shape[2]), lambda b: (b, 0, 0)),
        ],
        out_specs=pl.BlockSpec((g, 1, 1), lambda b: (b, 0, 0)),
        out_shape=jax.ShapeDtypeStruct((B, 1, 1), jnp.float32),
        compiler_params=pltpu.CompilerParams(
            dimension_semantics=("parallel",)),
    )(pred_points, gt_t)
    return per_batch[:, 0, 0]



_NC, _NS, _L = 2, 16, 16
_NW = _NC * _NS
_SC_B = 4
_CHUNKS = _NW // _SC_B
_N = 2048
_CP = _N // _CHUNKS
_PB = 16


def _sc_body(pred_hbm, gt_hbm, rowp_hbm, miny_hbm,
             pred_v, gt_v, miny_v, rowp_v):
    wid = lax.axis_index("s") * _NC + lax.axis_index("c")
    b = wid // _CHUNKS
    c = wid % _CHUNKS
    pltpu.sync_copy(pred_hbm.at[b, :, pl.ds(c * _CP, _CP)], pred_v)
    pltpu.sync_copy(gt_hbm.at[b], gt_v)

    def init_body(j, carry):
        miny_v[pl.ds(j * _L, _L)] = jnp.full((_L,), jnp.inf, jnp.float32)
        return carry

    lax.fori_loop(0, _N // _L, init_body, 0)

    def iblock(ib, carry):
        base = ib * _PB
        pxv = [pred_v[d, pl.ds(base, _PB)] for d in range(3)]
        for half in range(2):
            hw = _PB // 2
            pxs = [[pxv[d][half * hw + t] for d in range(3)]
                   for t in range(hw)]

            def jbody(j, accs):
                gx = gt_v[0, pl.ds(j * _L, _L)]
                gy = gt_v[1, pl.ds(j * _L, _L)]
                gz = gt_v[2, pl.ds(j * _L, _L)]
                ds_ = []
                new_accs = []
                for t in range(hw):
                    dx = gx - pxs[t][0]
                    dy = gy - pxs[t][1]
                    dz = gz - pxs[t][2]
                    d = dx * dx + dy * dy + dz * dz
                    ds_.append(d)
                    new_accs.append(jnp.minimum(accs[t], d))
                m = ds_[0]
                for t in range(1, hw):
                    m = jnp.minimum(m, ds_[t])
                sl = pl.ds(j * _L, _L)
                miny_v[sl] = jnp.minimum(miny_v[sl], m)
                return tuple(new_accs)

            accs0 = tuple(jnp.full((_L,), jnp.inf, jnp.float32)
                          for _ in range(hw))
            accs = lax.fori_loop(0, _N // _L, jbody, accs0)
            for t in range(hw):
                rowp_v[pl.ds((base + half * hw + t) * _L, _L)] = accs[t]
        return carry

    lax.fori_loop(0, _CP // _PB, iblock, 0)
    pltpu.sync_copy(rowp_v, rowp_hbm.at[b, c])
    pltpu.sync_copy(miny_v, miny_hbm.at[b, c])


def _sc_chamfer(pred_t, gt_t):
    mesh = plsc.VectorSubcoreMesh(core_axis_name="c", subcore_axis_name="s")
    run = functools.partial(
        pl.kernel, mesh=mesh,
        out_type=[
            jax.ShapeDtypeStruct((_SC_B, _CHUNKS, _CP * _L), jnp.float32),
            jax.ShapeDtypeStruct((_SC_B, _CHUNKS, _N), jnp.float32),
        ],
        scratch_types=[
            pltpu.VMEM((3, _CP), jnp.float32),
            pltpu.VMEM((3, _N), jnp.float32),
            pltpu.VMEM((_N,), jnp.float32),
            pltpu.VMEM((_CP * _L,), jnp.float32),
        ],
    )(_sc_body)
    rowp, miny_p = run(pred_t, gt_t)
    cham_x = jnp.min(rowp.reshape(_SC_B, _CHUNKS, _CP, _L), axis=3)
    sum_x = jnp.sum(cham_x, axis=(1, 2))
    min_y = jnp.min(miny_p, axis=1)
    return sum_x / _N + jnp.sum(min_y, axis=1) / _N


def kernel(pred_points, gt_points):
    B = pred_points.shape[0]
    tc_losses = _tc_chamfer(pred_points[:B - _SC_B], gt_points[:B - _SC_B])
    pred_sc = jnp.swapaxes(pred_points[B - _SC_B:], 1, 2)
    gt_sc = jnp.swapaxes(gt_points[B - _SC_B:], 1, 2)
    sc_losses = _sc_chamfer(pred_sc, gt_sc)
    return (jnp.sum(tc_losses) + jnp.sum(sc_losses)) / B

# --- scband reference (transcript-rebuilt; emitter-appended) ---
"""Pipeline reference for scband-chamfer-loss-12816182411304 (READ-ONLY COPY).

The authoritative reference and input builder live on the scoring server;
editing this copy changes nothing except your own understanding.
"""

import jax, jax.numpy as jnp
import numpy as np


def setup_inputs(seed: int = 0) -> dict:
    key = jax.random.key(seed)
    k1, k2 = jax.random.split(key)
    pred_points = jax.random.normal(k1, (16, 2048, 3), dtype=jnp.float32)
    gt_points = jax.random.normal(k2, (16, 2048, 3), dtype=jnp.float32)
    return {"pred_points": pred_points, "gt_points": gt_points}


def _chamfer(pred_points, gt_points, norm=2):
    # pairwise squared distances via matmul: |x|^2 + |y|^2 - 2 x.y
    if norm == 2:
        x2 = jnp.sum(pred_points * pred_points, axis=-1)[:, :, None]   # (B, N1, 1)
        y2 = jnp.sum(gt_points * gt_points, axis=-1)[:, None, :]       # (B, 1, N2)
        xy = jnp.einsum('bnd,bmd->bnm', pred_points, gt_points)        # (B, N1, N2)
        d = jnp.maximum(x2 + y2 - 2.0 * xy, 0.0)                       # squared L2 (pytorch3d norm=2)
    else:
        diff = pred_points[:, :, None, :] - gt_points[:, None, :, :]
        d = jnp.sum(jnp.abs(diff), axis=-1)
    cham_x = jnp.min(d, axis=2)  # (B, N1) nearest gt for each pred point
    cham_y = jnp.min(d, axis=1)  # (B, N2) nearest pred for each gt point
    # point_reduction='mean' then batch_reduction='mean'
    loss = jnp.mean(jnp.mean(cham_x, axis=1)) + jnp.mean(jnp.mean(cham_y, axis=1))
    return loss


def reference(pred_points, gt_points):
    return _chamfer(pred_points, gt_points, norm=2)

if __name__ == "__main__":
    import jax
    _d = setup_inputs()
    print(jax.jit(kernel)(*tuple(_d.values())))

</pallas_src>

<mosaic_0001>
#map = affine_map<(d0, d1) -> (0, 0, 0)>
module attributes {stable_mosaic.version = 14 : i64} {
  func.func @_sc_body(%arg0: i32, %arg1: i32, %arg2: memref<4x3x2048xf32, #tpu.memory_space<hbm>>, %arg3: memref<4x3x2048xf32, #tpu.memory_space<hbm>>, %arg4: memref<4x8x4096xf32, #tpu.memory_space<hbm>>, %arg5: memref<4x8x2048xf32, #tpu.memory_space<hbm>>, %arg6: memref<3x256xf32, #tpu.memory_space<vmem>>, %arg7: memref<3x2048xf32, #tpu.memory_space<vmem>>, %arg8: memref<2048xf32, #tpu.memory_space<vmem>>, %arg9: memref<4096xf32, #tpu.memory_space<vmem>>) attributes {dimension_semantics = [#tpu.dimension_semantics<core_parallel>, #tpu.dimension_semantics<subcore_parallel>], iteration_bounds = array<i64: 2, 16>, scalar_prefetch = 0 : i64, scratch_operands = 4 : i64, tpu.core_type = #tpu.core_type<sc_vector_subcore>, window_params = [{transform_indices = #map}, {transform_indices = #map}, {transform_indices = #map}, {transform_indices = #map}]} {
    %mul3A = arith.constant 2 : i32
    %mul3A_0 = arith.muli %arg1, %mul3A : i32
    %add3A = arith.addi %mul3A_0, %arg0 : i32
    %jit3A = arith.constant 8 : i32
    %div3A = arith.divsi %add3A, %jit3A : i32
    %sign3A = arith.constant 0 : i32
    %sign3A_1 = arith.cmpi sgt, %add3A, %sign3A : i32
    %sign3A_2 = arith.extui %sign3A_1 : i1 to i32
    %sign3A_3 = arith.constant 0 : i32
    %sign3A_4 = arith.cmpi slt, %add3A, %sign3A_3 : i32
    %sign3A_5 = arith.extui %sign3A_4 : i1 to i32
    %sign3A_6 = arith.subi %sign3A_2, %sign3A_5 : i32
    %sign3A_7 = arith.constant 0 : i32
    %sign3A_8 = arith.cmpi sgt, %jit3A, %sign3A_7 : i32
    %sign3A_9 = arith.extui %sign3A_8 : i1 to i32
    %sign3A_10 = arith.constant 0 : i32
    %sign3A_11 = arith.cmpi slt, %jit3A, %sign3A_10 : i32
    %sign3A_12 = arith.extui %sign3A_11 : i1 to i32
    %sign3A_13 = arith.subi %sign3A_9, %sign3A_12 : i32
    %ne3A = arith.cmpi ne, %sign3A_6, %sign3A_13 : i32
    %rem3A = arith.remsi %add3A, %jit3A : i32
    %ne3A_14 = arith.constant 0 : i32
    %ne3A_15 = arith.cmpi ne, %rem3A, %ne3A_14 : i32
    %and3A = arith.andi %ne3A, %ne3A_15 : i1
    %sub3A = arith.constant 1 : i32
    %sub3A_16 = arith.subi %div3A, %sub3A : i32
    %select_n3A = arith.select %and3A, %sub3A_16, %div3A : i32
    %jit3A_17 = arith.constant 8 : i32
    %eq3A = arith.constant 0 : i32
    %eq3A_18 = arith.cmpi eq, %jit3A_17, %eq3A : i32
    %jit3A_19 = arith.constant 1 : i32
    %select_n3A_20 = arith.select %eq3A_18, %jit3A_19, %jit3A_17 : i32
    %rem3A_21 = arith.remsi %add3A, %select_n3A_20 : i32
    %ne3A_22 = arith.constant 0 : i32
    %ne3A_23 = arith.cmpi ne, %rem3A_21, %ne3A_22 : i32
    %lt3A = arith.constant 0 : i32
    %lt3A_24 = arith.cmpi slt, %rem3A_21, %lt3A : i32
    %lt3A_25 = arith.constant 0 : i32
    %lt3A_26 = arith.cmpi slt, %select_n3A_20, %lt3A_25 : i32
    %ne3A_27 = arith.xori %lt3A_24, %lt3A_26 : i1
    %and3A_28 = arith.andi %ne3A_27, %ne3A_23 : i1
    %add3A_29 = arith.addi %rem3A_21, %select_n3A_20 : i32
    %select_n3A_30 = arith.select %and3A_28, %add3A_29, %rem3A_21 : i32
    %mul3A_31 = arith.constant 256 : i32
    %mul3A_32 = arith.muli %select_n3A_30, %mul3A_31 : i32
    "tpu.region"() ({
      %run_scoped3A = tpu.sem_alloc : memref<!tpu.dma_semaphore, #tpu.memory_space<semaphore_mem>>
      %dma_start3A = arith.constant 0 : i32
      %dma_start3A_44 = tpu.memref_slice %arg2[%select_n3A, %dma_start3A, %mul3A_32] : memref<4x3x2048xf32, #tpu.memory_space<hbm>> -> memref<1x3x256xf32, #tpu.memory_space<hbm>>
      %dma_start3A_45 = tpu.memref_squeeze %dma_start3A_44 : memref<1x3x256xf32, #tpu.memory_space<hbm>> -> memref<3x256xf32, #tpu.memory_space<hbm>>
      %dma_start3A_46 = arith.constant 0 : i32
      %dma_start3A_47 = tpu.memref_slice %arg2[%select_n3A, %dma_start3A_46, %mul3A_32] : memref<4x3x2048xf32, #tpu.memory_space<hbm>> -> memref<1x3x256xf32, #tpu.memory_space<hbm>>
      %dma_start3A_48 = tpu.memref_squeeze %dma_start3A_47 : memref<1x3x256xf32, #tpu.memory_space<hbm>> -> memref<3x256xf32, #tpu.memory_space<hbm>>
      tpu.enqueue_dma source(%dma_start3A_48 : memref<3x256xf32, #tpu.memory_space<hbm>>) target(%arg6 : memref<3x256xf32, #tpu.memory_space<vmem>>) target_semaphore(%run_scoped3A : memref<!tpu.dma_semaphore, #tpu.memory_space<semaphore_mem>>)
      %dma_wait3A = arith.constant 0 : i32
      %dma_wait3A_49 = tpu.memref_slice %arg2[%select_n3A, %dma_wait3A, %mul3A_32] : memref<4x3x2048xf32, #tpu.memory_space<hbm>> -> memref<1x3x256xf32, #tpu.memory_space<hbm>>
      %dma_wait3A_50 = tpu.memref_squeeze %dma_wait3A_49 : memref<1x3x256xf32, #tpu.memory_space<hbm>> -> memref<3x256xf32, #tpu.memory_space<hbm>>
      %dma_wait3A_51 = arith.constant 0 : i32
      %dma_wait3A_52 = tpu.memref_slice %arg2[%select_n3A, %dma_wait3A_51, %mul3A_32] : memref<4x3x2048xf32, #tpu.memory_space<hbm>> -> memref<1x3x256xf32, #tpu.memory_space<hbm>>
      %dma_wait3A_53 = tpu.memref_squeeze %dma_wait3A_52 : memref<1x3x256xf32, #tpu.memory_space<hbm>> -> memref<3x256xf32, #tpu.memory_space<hbm>>
      tpu.wait_dma2 semaphore(%run_scoped3A : memref<!tpu.dma_semaphore, #tpu.memory_space<semaphore_mem>>) src(%dma_wait3A_53 : memref<3x256xf32, #tpu.memory_space<hbm>>) dst(%arg6 : memref<3x256xf32, #tpu.memory_space<vmem>>)
      tpu.yield
    }) : () -> ()
    "tpu.region"() ({
      %run_scoped3A = tpu.sem_alloc : memref<!tpu.dma_semaphore, #tpu.memory_space<semaphore_mem>>
      %dma_start3A = arith.constant 0 : i32
      %dma_start3A_44 = arith.constant 0 : i32
      %dma_start3A_45 = tpu.memref_slice %arg3[%select_n3A, %dma_start3A, %dma_start3A_44] : memref<4x3x2048xf32, #tpu.memory_space<hbm>> -> memref<1x3x2048xf32, #tpu.memory_space<hbm>>
      %dma_start3A_46 = tpu.memref_squeeze %dma_start3A_45 : memref<1x3x2048xf32, #tpu.memory_space<hbm>> -> memref<3x2048xf32, #tpu.memory_space<hbm>>
      %dma_start3A_47 = arith.constant 0 : i32
      %dma_start3A_48 = arith.constant 0 : i32
      %dma_start3A_49 = tpu.memref_slice %arg3[%select_n3A, %dma_start3A_47, %dma_start3A_48] : memref<4x3x2048xf32, #tpu.memory_space<hbm>> -> memref<1x3x2048xf32, #tpu.memory_space<hbm>>
      %dma_start3A_50 = tpu.memref_squeeze %dma_start3A_49 : memref<1x3x2048xf32, #tpu.memory_space<hbm>> -> memref<3x2048xf32, #tpu.memory_space<hbm>>
      tpu.enqueue_dma source(%dma_start3A_50 : memref<3x2048xf32, #tpu.memory_space<hbm>>) target(%arg7 : memref<3x2048xf32, #tpu.memory_space<vmem>>) target_semaphore(%run_scoped3A : memref<!tpu.dma_semaphore, #tpu.memory_space<semaphore_mem>>)
      %dma_wait3A = arith.constant 0 : i32
      %dma_wait3A_51 = arith.constant 0 : i32
      %dma_wait3A_52 = tpu.memref_slice %arg3[%select_n3A, %dma_wait3A, %dma_wait3A_51] : memref<4x3x2048xf32, #tpu.memory_space<hbm>> -> memref<1x3x2048xf32, #tpu.memory_space<hbm>>
      %dma_wait3A_53 = tpu.memref_squeeze %dma_wait3A_52 : memref<1x3x2048xf32, #tpu.memory_space<hbm>> -> memref<3x2048xf32, #tpu.memory_space<hbm>>
      %dma_wait3A_54 = arith.constant 0 : i32
      %dma_wait3A_55 = arith.constant 0 : i32
      %dma_wait3A_56 = tpu.memref_slice %arg3[%select_n3A, %dma_wait3A_54, %dma_wait3A_55] : memref<4x3x2048xf32, #tpu.memory_space<hbm>> -> memref<1x3x2048xf32, #tpu.memory_space<hbm>>
      %dma_wait3A_57 = tpu.memref_squeeze %dma_wait3A_56 : memref<1x3x2048xf32, #tpu.memory_space<hbm>> -> memref<3x2048xf32, #tpu.memory_space<hbm>>
      tpu.wait_dma2 semaphore(%run_scoped3A : memref<!tpu.dma_semaphore, #tpu.memory_space<semaphore_mem>>) src(%dma_wait3A_57 : memref<3x2048xf32, #tpu.memory_space<hbm>>) dst(%arg7 : memref<3x2048xf32, #tpu.memory_space<vmem>>)
      tpu.yield
    }) : () -> ()
    %scan3A = arith.constant 0 : i32
    %scan3A_33 = arith.constant 0 : i32
    %scan3A_34 = arith.constant 128 : i32
    %scan3A_35 = arith.addi %scan3A_33, %scan3A_34 : i32
    %scan3A_36 = arith.constant 1 : i32
    scf.for %scan3A_44 = %scan3A_33 to %scan3A_35 step %scan3A_36  : i32 {
      %broadcast_in_dim3A = arith.constant 0x7F800000 : f32
      %broadcast_in_dim3A_45 = vector.broadcast %broadcast_in_dim3A : f32 to vector<16xf32>
      %mul3A_46 = arith.constant 16 : i32
      %mul3A_47 = arith.muli %scan3A_44, %mul3A_46 : i32
      %swap3A = arith.index_cast %mul3A_47 : i32 to index
      %swap3A_48 = tpu.vector_load %arg8[%swap3A] {strides = array<i32>} : memref<2048xf32, #tpu.memory_space<vmem>>, vector<16xf32>,
      %swap3A_49 = vector.shape_cast %swap3A_48 : vector<16xf32> to vector<16xf32>
      %swap3A_50 = vector.shape_cast %broadcast_in_dim3A_45 : vector<16xf32> to vector<16xf32>
      tpu.vector_store %arg8[%swap3A], %swap3A_50 {strides = array<i32>} : memref<2048xf32, #tpu.memory_space<vmem>>, vector<16xf32>,
    }
    %scan3A_37 = arith.constant 128 : i32
    %scan3A_38 = arith.constant 0 : i32
    %scan3A_39 = arith.constant 0 : i32
    %scan3A_40 = arith.constant 16 : i32
    %scan3A_41 = arith.addi %scan3A_39, %scan3A_40 : i32
    %scan3A_42 = arith.constant 1 : i32
    scf.for %scan3A_44 = %scan3A_39 to %scan3A_41 step %scan3A_42  : i32 {
      %mul3A_45 = arith.constant 16 : i32
      %mul3A_46 = arith.muli %scan3A_44, %mul3A_45 : i32
      %get3A = arith.constant 0 : i32
      %get3A_47 = arith.index_cast %get3A : i32 to index
      %get3A_48 = arith.index_cast %mul3A_46 : i32 to index
      %get3A_49 = tpu.vector_load %arg6[%get3A_47, %get3A_48] {strides = array<i32>} : memref<3x256xf32, #tpu.memory_space<vmem>>, vector<1x16xf32>,
      %get3A_50 = vector.shape_cast %get3A_49 : vector<1x16xf32> to vector<16xf32>
      %get3A_51 = arith.constant 1 : i32
      %get3A_52 = arith.index_cast %get3A_51 : i32 to index
      %get3A_53 = arith.index_cast %mul3A_46 : i32 to index
      %get3A_54 = tpu.vector_load %arg6[%get3A_52, %get3A_53] {strides = array<i32>} : memref<3x256xf32, #tpu.memory_space<vmem>>, vector<1x16xf32>,
      %get3A_55 = vector.shape_cast %get3A_54 : vector<1x16xf32> to vector<16xf32>
      %get3A_56 = arith.constant 2 : i32
      %get3A_57 = arith.index_cast %get3A_56 : i32 to index
      %get3A_58 = arith.index_cast %mul3A_46 : i32 to index
      %get3A_59 = tpu.vector_load %arg6[%get3A_57, %get3A_58] {strides = array<i32>} : memref<3x256xf32, #tpu.memory_space<vmem>>, vector<1x16xf32>,
      %get3A_60 = vector.shape_cast %get3A_59 : vector<1x16xf32> to vector<16xf32>
      %slice3A = vector.extract_strided_slice %get3A_50 {offsets = [0], sizes = [1], strides = [1]} : vector<16xf32> to vector<1xf32>
      %squeeze3A = vector.extract %slice3A[0] : f32 from vector<1xf32>
      %slice3A_61 = vector.extract_strided_slice %get3A_55 {offsets = [0], sizes = [1], strides = [1]} : vector<16xf32> to vector<1xf32>
      %squeeze3A_62 = vector.extract %slice3A_61[0] : f32 from vector<1xf32>
      %slice3A_63 = vector.extract_strided_slice %get3A_60 {offsets = [0], sizes = [1], strides = [1]} : vector<16xf32> to vector<1xf32>
      %squeeze3A_64 = vector.extract %slice3A_63[0] : f32 from vector<1xf32>
      %slice3A_65 = vector.extract_strided_slice %get3A_50 {offsets = [1], sizes = [1], strides = [1]} : vector<16xf32> to vector<1xf32>
      %squeeze3A_66 = vector.extract %slice3A_65[0] : f32 from vector<1xf32>
      %slice3A_67 = vector.extract_strided_slice %get3A_55 {offsets = [1], sizes = [1], strides = [1]} : vector<16xf32> to vector<1xf32>
      %squeeze3A_68 = vector.extract %slice3A_67[0] : f32 from vector<1xf32>
      %slice3A_69 = vector.extract_strided_slice %get3A_60 {offsets = [1], sizes = [1], strides = [1]} : vector<16xf32> to vector<1xf32>
      %squeeze3A_70 = vector.extract %slice3A_69[0] : f32 from vector<1xf32>
      %slice3A_71 = vector.extract_strided_slice %get3A_50 {offsets = [2], sizes = [1], strides = [1]} : vector<16xf32> to vector<1xf32>
      %squeeze3A_72 = vector.extract %slice3A_71[0] : f32 from vector<1xf32>
      %slice3A_73 = vector.extract_strided_slice %get3A_55 {offsets = [2], sizes = [1], strides = [1]} : vector<16xf32> to vector<1xf32>
      %squeeze3A_74 = vector.extract %slice3A_73[0] : f32 from vector<1xf32>
      %slice3A_75 = vector.extract_strided_slice %get3A_60 {offsets = [2], sizes = [1], strides = [1]} : vector<16xf32> to vector<1xf32>
      %squeeze3A_76 = vector.extract %slice3A_75[0] : f32 from vector<1xf32>
      %slice3A_77 = vector.extract_strided_slice %get3A_50 {offsets = [3], sizes = [1], strides = [1]} : vector<16xf32> to vector<1xf32>
      %squeeze3A_78 = vector.extract %slice3A_77[0] : f32 from vector<1xf32>
      %slice3A_79 = vector.extract_strided_slice %get3A_55 {offsets = [3], sizes = [1], strides = [1]} : vector<16xf32> to vector<1xf32>
      %squeeze3A_80 = vector.extract %slice3A_79[0] : f32 from vector<1xf32>
      %slice3A_81 = vector.extract_strided_slice %get3A_60 {offsets = [3], sizes = [1], strides = [1]} : vector<16xf32> to vector<1xf32>
      %squeeze3A_82 = vector.extract %slice3A_81[0] : f32 from vector<1xf32>
      %slice3A_83 = vector.extract_strided_slice %get3A_50 {offsets = [4], sizes = [1], strides = [1]} : vector<16xf32> to vector<1xf32>
      %squeeze3A_84 = vector.extract %slice3A_83[0] : f32 from vector<1xf32>
      %slice3A_85 = vector.extract_strided_slice %get3A_55 {offsets = [4], sizes = [1], strides = [1]} : vector<16xf32> to vector<1xf32>
      %squeeze3A_86 = vector.extract %slice3A_85[0] : f32 from vector<1xf32>
      %slice3A_87 = vector.extract_strided_slice %get3A_60 {offsets = [4], sizes = [1], strides = [1]} : vector<16xf32> to vector<1xf32>
      %squeeze3A_88 = vector.extract %slice3A_87[0] : f32 from vector<1xf32>
      %slice3A_89 = vector.extract_strided_slice %get3A_50 {offsets = [5], sizes = [1], strides = [1]} : vector<16xf32> to vector<1xf32>
      %squeeze3A_90 = vector.extract %slice3A_89[0] : f32 from vector<1xf32>
      %slice3A_91 = vector.extract_strided_slice %get3A_55 {offsets = [5], sizes = [1], strides = [1]} : vector<16xf32> to vector<1xf32>
      %squeeze3A_92 = vector.extract %slice3A_91[0] : f32 from vector<1xf32>
      %slice3A_93 = vector.extract_strided_slice %get3A_60 {offsets = [5], sizes = [1], strides = [1]} : vector<16xf32> to vector<1xf32>
      %squeeze3A_94 = vector.extract %slice3A_93[0] : f32 from vector<1xf32>
      %slice3A_95 = vector.extract_strided_slice %get3A_50 {offsets = [6], sizes = [1], strides = [1]} : vector<16xf32> to vector<1xf32>
      %squeeze3A_96 = vector.extract %slice3A_95[0] : f32 from vector<1xf32>
      %slice3A_97 = vector.extract_strided_slice %get3A_55 {offsets = [6], sizes = [1], strides = [1]} : vector<16xf32> to vector<1xf32>
      %squeeze3A_98 = vector.extract %slice3A_97[0] : f32 from vector<1xf32>
      %slice3A_99 = vector.extract_strided_slice %get3A_60 {offsets = [6], sizes = [1], strides = [1]} : vector<16xf32> to vector<1xf32>
      %squeeze3A_100 = vector.extract %slice3A_99[0] : f32 from vector<1xf32>
      %slice3A_101 = vector.extract_strided_slice %get3A_50 {offsets = [7], sizes = [1], strides = [1]} : vector<16xf32> to vector<1xf32>
      %squeeze3A_102 = vector.extract %slice3A_101[0] : f32 from vector<1xf32>
      %slice3A_103 = vector.extract_strided_slice %get3A_55 {offsets = [7], sizes = [1], strides = [1]} : vector<16xf32> to vector<1xf32>
      %squeeze3A_104 = vector.extract %slice3A_103[0] : f32 from vector<1xf32>
      %slice3A_105 = vector.extract_strided_slice %get3A_60 {offsets = [7], sizes = [1], strides = [1]} : vector<16xf32> to vector<1xf32>
      %squeeze3A_106 = vector.extract %slice3A_105[0] : f32 from vector<1xf32>
      %broadcast_in_dim3A = arith.constant 0x7F800000 : f32
      %broadcast_in_dim3A_107 = vector.broadcast %broadcast_in_dim3A : f32 to vector<16xf32>
      %broadcast_in_dim3A_108 = arith.constant 0x7F800000 : f32
      %broadcast_in_dim3A_109 = vector.broadcast %broadcast_in_dim3A_108 : f32 to vector<16xf32>
      %broadcast_in_dim3A_110 = arith.constant 0x7F800000 : f32
      %broadcast_in_dim3A_111 = vector.broadcast %broadcast_in_dim3A_110 : f32 to vector<16xf32>
      %broadcast_in_dim3A_112 = arith.constant 0x7F800000 : f32
      %broadcast_in_dim3A_113 = vector.broadcast %broadcast_in_dim3A_112 : f32 to vector<16xf32>
      %broadcast_in_dim3A_114 = arith.constant 0x7F800000 : f32
      %broadcast_in_dim3A_115 = vector.broadcast %broadcast_in_dim3A_114 : f32 to vector<16xf32>
      %broadcast_in_dim3A_116 = arith.constant 0x7F800000 : f32
      %broadcast_in_dim3A_117 = vector.broadcast %broadcast_in_dim3A_116 : f32 to vector<16xf32>
      %broadcast_in_dim3A_118 = arith.constant 0x7F800000 : f32
      %broadcast_in_dim3A_119 = vector.broadcast %broadcast_in_dim3A_118 : f32 to vector<16xf32>
      %broadcast_in_dim3A_120 = arith.constant 0x7F800000 : f32
      %broadcast_in_dim3A_121 = vector.broadcast %broadcast_in_dim3A_120 : f32 to vector<16xf32>
      %scan3A_122 = arith.constant 0 : i32
      %scan3A_123 = arith.constant 128 : i32
      %scan3A_124 = arith.addi %scan3A_122, %scan3A_123 : i32
      %scan3A_125 = arith.constant 1 : i32
      %scan3A_126:8 = scf.for %scan3A_357 = %scan3A_122 to %scan3A_124 step %scan3A_125 iter_args(%scan3A_358 = %broadcast_in_dim3A_107, %scan3A_359 = %broadcast_in_dim3A_109, %scan3A_360 = %broadcast_in_dim3A_111, %scan3A_361 = %broadcast_in_dim3A_113, %scan3A_362 = %broadcast_in_dim3A_115, %scan3A_363 = %broadcast_in_dim3A_117, %scan3A_364 = %broadcast_in_dim3A_119, %scan3A_365 = %broadcast_in_dim3A_121) -> (vector<16xf32>, vector<16xf32>, vector<16xf32>, vector<16xf32>, vector<16xf32>, vector<16xf32>, vector<16xf32>, vector<16xf32>)  : i32 {
        %mul3A_366 = arith.constant 16 : i32
        %mul3A_367 = arith.muli %scan3A_357, %mul3A_366 : i32
        %get3A_368 = arith.constant 0 : i32
        %get3A_369 = arith.index_cast %get3A_368 : i32 to index
        %get3A_370 = arith.index_cast %mul3A_367 : i32 to index
        %get3A_371 = tpu.vector_load %arg7[%get3A_369, %get3A_370] {strides = array<i32>} : memref<3x2048xf32, #tpu.memory_space<vmem>>, vector<1x16xf32>,
        %get3A_372 = vector.shape_cast %get3A_371 : vector<1x16xf32> to vector<16xf32>
        %mul3A_373 = arith.constant 16 : i32
        %mul3A_374 = arith.muli %scan3A_357, %mul3A_373 : i32
        %get3A_375 = arith.constant 1 : i32
        %get3A_376 = arith.index_cast %get3A_375 : i32 to index
        %get3A_377 = arith.index_cast %mul3A_374 : i32 to index
        %get3A_378 = tpu.vector_load %arg7[%get3A_376, %get3A_377] {strides = array<i32>} : memref<3x2048xf32, #tpu.memory_space<vmem>>, vector<1x16xf32>,
        %get3A_379 = vector.shape_cast %get3A_378 : vector<1x16xf32> to vector<16xf32>
        %mul3A_380 = arith.constant 16 : i32
        %mul3A_381 = arith.muli %scan3A_357, %mul3A_380 : i32
        %get3A_382 = arith.constant 2 : i32
        %get3A_383 = arith.index_cast %get3A_382 : i32 to index
        %get3A_384 = arith.index_cast %mul3A_381 : i32 to index
        %get3A_385 = tpu.vector_load %arg7[%get3A_383, %get3A_384] {strides = array<i32>} : memref<3x2048xf32, #tpu.memory_space<vmem>>, vector<1x16xf32>,
        %get3A_386 = vector.shape_cast %get3A_385 : vector<1x16xf32> to vector<16xf32>
        %sub3A_387 = vector.broadcast %squeeze3A : f32 to vector<16xf32>
        %sub3A_388 = arith.subf %get3A_372, %sub3A_387 : vector<16xf32>
        %sub3A_389 = vector.broadcast %squeeze3A_62 : f32 to vector<16xf32>
        %sub3A_390 = arith.subf %get3A_379, %sub3A_389 : vector<16xf32>
        %sub3A_391 = vector.broadcast %squeeze3A_64 : f32 to vector<16xf32>
        %sub3A_392 = arith.subf %get3A_386, %sub3A_391 : vector<16xf32>
        %mul3A_393 = arith.mulf %sub3A_388, %sub3A_388 : vector<16xf32>
        %mul3A_394 = arith.mulf %sub3A_390, %sub3A_390 : vector<16xf32>
        %add3A_395 = arith.addf %mul3A_393, %mul3A_394 : vector<16xf32>
        %mul3A_396 = arith.mulf %sub3A_392, %sub3A_392 : vector<16xf32>
        %add3A_397 = arith.addf %add3A_395, %mul3A_396 : vector<16xf32>
        %min3A = arith.minimumf %scan3A_358, %add3A_397 : vector<16xf32>
        %sub3A_398 = vector.broadcast %squeeze3A_66 : f32 to vector<16xf32>
        %sub3A_399 = arith.subf %get3A_372, %sub3A_398 : vector<16xf32>
        %sub3A_400 = vector.broadcast %squeeze3A_68 : f32 to vector<16xf32>
        %sub3A_401 = arith.subf %get3A_379, %sub3A_400 : vector<16xf32>
        %sub3A_402 = vector.broadcast %squeeze3A_70 : f32 to vector<16xf32>
        %sub3A_403 = arith.subf %get3A_386, %sub3A_402 : vector<16xf32>
        %mul3A_404 = arith.mulf %sub3A_399, %sub3A_399 : vector<16xf32>
        %mul3A_405 = arith.mulf %sub3A_401, %sub3A_401 : vector<16xf32>
        %add3A_406 = arith.addf %mul3A_404, %mul3A_405 : vector<16xf32>
        %mul3A_407 = arith.mulf %sub3A_403, %sub3A_403 : vector<16xf32>
        %add3A_408 = arith.addf %add3A_406, %mul3A_407 : vector<16xf32>
        %min3A_409 = arith.minimumf %scan3A_359, %add3A_408 : vector<16xf32>
        %sub3A_410 = vector.broadcast %squeeze3A_72 : f32 to vector<16xf32>
        %sub3A_411 = arith.subf %get3A_372, %sub3A_410 : vector<16xf32>
        %sub3A_412 = vector.broadcast %squeeze3A_74 : f32 to vector<16xf32>
        %sub3A_413 = arith.subf %get3A_379, %sub3A_412 : vector<16xf32>
        %sub3A_414 = vector.broadcast %squeeze3A_76 : f32 to vector<16xf32>
        %sub3A_415 = arith.subf %get3A_386, %sub3A_414 : vector<16xf32>
        %mul3A_416 = arith.mulf %sub3A_411, %sub3A_411 : vector<16xf32>
        %mul3A_417 = arith.mulf %sub3A_413, %sub3A_413 : vector<16xf32>
        %add3A_418 = arith.addf %mul3A_416, %mul3A_417 : vector<16xf32>
        %mul3A_419 = arith.mulf %sub3A_415, %sub3A_415 : vector<16xf32>
        %add3A_420 = arith.addf %add3A_418, %mul3A_419 : vector<16xf32>
        %min3A_421 = arith.minimumf %scan3A_360, %add3A_420 : vector<16xf32>
        %sub3A_422 = vector.broadcast %squeeze3A_78 : f32 to vector<16xf32>
        %sub3A_423 = arith.subf %get3A_372, %sub3A_422 : vector<16xf32>
        %sub3A_424 = vector.broadcast %squeeze3A_80 : f32 to vector<16xf32>
        %sub3A_425 = arith.subf %get3A_379, %sub3A_424 : vector<16xf32>
        %sub3A_426 = vector.broadcast %squeeze3A_82 : f32 to vector<16xf32>
        %sub3A_427 = arith.subf %get3A_386, %sub3A_426 : vector<16xf32>
        %mul3A_428 = arith.mulf %sub3A_423, %sub3A_423 : vector<16xf32>
        %mul3A_429 = arith.mulf %sub3A_425, %sub3A_425 : vector<16xf32>
        %add3A_430 = arith.addf %mul3A_428, %mul3A_429 : vector<16xf32>
        %mul3A_431 = arith.mulf %sub3A_427, %sub3A_427 : vector<16xf32>
        %add3A_432 = arith.addf %add3A_430, %mul3A_431 : vector<16xf32>
        %min3A_433 = arith.minimumf %scan3A_361, %add3A_432 : vector<16xf32>
        %sub3A_434 = vector.broadcast %squeeze3A_84 : f32 to vector<16xf32>
        %sub3A_435 = arith.subf %get3A_372, %sub3A_434 : vector<16xf32>
        %sub3A_436 = vector.broadcast %squeeze3A_86 : f32 to vector<16xf32>
        %sub3A_437 = arith.subf %get3A_379, %sub3A_436 : vector<16xf32>
        %sub3A_438 = vector.broadcast %squeeze3A_88 : f32 to vector<16xf32>
        %sub3A_439 = arith.subf %get3A_386, %sub3A_438 : vector<16xf32>
        %mul3A_440 = arith.mulf %sub3A_435, %sub3A_435 : vector<16xf32>
        %mul3A_441 = arith.mulf %sub3A_437, %sub3A_437 : vector<16xf32>
        %add3A_442 = arith.addf %mul3A_440, %mul3A_441 : vector<16xf32>
        %mul3A_443 = arith.mulf %sub3A_439, %sub3A_439 : vector<16xf32>
        %add3A_444 = arith.addf %add3A_442, %mul3A_443 : vector<16xf32>
        %min3A_445 = arith.minimumf %scan3A_362, %add3A_444 : vector<16xf32>
        %sub3A_446 = vector.broadcast %squeeze3A_90 : f32 to vector<16xf32>
        %sub3A_447 = arith.subf %get3A_372, %sub3A_446 : vector<16xf32>
        %sub3A_448 = vector.broadcast %squeeze3A_92 : f32 to vector<16xf32>
        %sub3A_449 = arith.subf %get3A_379, %sub3A_448 : vector<16xf32>
        %sub3A_450 = vector.broadcast %squeeze3A_94 : f32 to vector<16xf32>
        %sub3A_451 = arith.subf %get3A_386, %sub3A_450 : vector<16xf32>
        %mul3A_452 = arith.mulf %sub3A_447, %sub3A_447 : vector<16xf32>
        %mul3A_453 = arith.mulf %sub3A_449, %sub3A_449 : vector<16xf32>
        %add3A_454 = arith.addf %mul3A_452, %mul3A_453 : vector<16xf32>
        %mul3A_455 = arith.mulf %sub3A_451, %sub3A_451 : vector<16xf32>
        %add3A_456 = arith.addf %add3A_454, %mul3A_455 : vector<16xf32>
        %min3A_457 = arith.minimumf %scan3A_363, %add3A_456 : vector<16xf32>
        %sub3A_458 = vector.broadcast %squeeze3A_96 : f32 to vector<16xf32>
        %sub3A_459 = arith.subf %get3A_372, %sub3A_458 : vector<16xf32>
        %sub3A_460 = vector.broadcast %squeeze3A_98 : f32 to vector<16xf32>
        %sub3A_461 = arith.subf %get3A_379, %sub3A_460 : vector<16xf32>
        %sub3A_462 = vector.broadcast %squeeze3A_100 : f32 to vector<16xf32>
        %sub3A_463 = arith.subf %get3A_386, %sub3A_462 : vector<16xf32>
        %mul3A_464 = arith.mulf %sub3A_459, %sub3A_459 : vector<16xf32>
        %mul3A_465 = arith.mulf %sub3A_461, %sub3A_461 : vector<16xf32>
        %add3A_466 = arith.addf %mul3A_464, %mul3A_465 : vector<16xf32>
        %mul3A_467 = arith.mulf %sub3A_463, %sub3A_463 : vector<16xf32>
        %add3A_468 = arith.addf %add3A_466, %mul3A_467 : vector<16xf32>
        %min3A_469 = arith.minimumf %scan3A_364, %add3A_468 : vector<16xf32>
        %sub3A_470 = vector.broadcast %squeeze3A_102 : f32 to vector<16xf32>
        %sub3A_471 = arith.subf %get3A_372, %sub3A_470 : vector<16xf32>
        %sub3A_472 = vector.broadcast %squeeze3A_104 : f32 to vector<16xf32>
        %sub3A_473 = arith.subf %get3A_379, %sub3A_472 : vector<16xf32>
        %sub3A_474 = vector.broadcast %squeeze3A_106 : f32 to vector<16xf32>
        %sub3A_475 = arith.subf %get3A_386, %sub3A_474 : vector<16xf32>
        %mul3A_476 = arith.mulf %sub3A_471, %sub3A_471 : vector<16xf32>
        %mul3A_477 = arith.mulf %sub3A_473, %sub3A_473 : vector<16xf32>
        %add3A_478 = arith.addf %mul3A_476, %mul3A_477 : vector<16xf32>
        %mul3A_479 = arith.mulf %sub3A_475, %sub3A_475 : vector<16xf32>
        %add3A_480 = arith.addf %add3A_478, %mul3A_479 : vector<16xf32>
        %min3A_481 = arith.minimumf %scan3A_365, %add3A_480 : vector<16xf32>
        %min3A_482 = arith.minimumf %add3A_397, %add3A_408 : vector<16xf32>
        %min3A_483 = arith.minimumf %min3A_482, %add3A_420 : vector<16xf32>
        %min3A_484 = arith.minimumf %min3A_483, %add3A_432 : vector<16xf32>
        %min3A_485 = arith.minimumf %min3A_484, %add3A_444 : vector<16xf32>
        %min3A_486 = arith.minimumf %min3A_485, %add3A_456 : vector<16xf32>
        %min3A_487 = arith.minimumf %min3A_486, %add3A_468 : vector<16xf32>
        %min3A_488 = arith.minimumf %min3A_487, %add3A_480 : vector<16xf32>
        %mul3A_489 = arith.constant 16 : i32
        %mul3A_490 = arith.muli %scan3A_357, %mul3A_489 : i32
        %get3A_491 = arith.index_cast %mul3A_490 : i32 to index
        %get3A_492 = tpu.vector_load %arg8[%get3A_491] {strides = array<i32>} : memref<2048xf32, #tpu.memory_space<vmem>>, vector<16xf32>,
        %get3A_493 = vector.shape_cast %get3A_492 : vector<16xf32> to vector<16xf32>
        %min3A_494 = arith.minimumf %get3A_493, %min3A_488 : vector<16xf32>
        %swap3A_495 = arith.index_cast %mul3A_490 : i32 to index
        %swap3A_496 = tpu.vector_load %arg8[%swap3A_495] {strides = array<i32>} : memref<2048xf32, #tpu.memory_space<vmem>>, vector<16xf32>,
        %swap3A_497 = vector.shape_cast %swap3A_496 : vector<16xf32> to vector<16xf32>
        %swap3A_498 = vector.shape_cast %min3A_494 : vector<16xf32> to vector<16xf32>
        tpu.vector_store %arg8[%swap3A_495], %swap3A_498 {strides = array<i32>} : memref<2048xf32, #tpu.memory_space<vmem>>, vector<16xf32>,
        scf.yield %min3A, %min3A_409, %min3A_421, %min3A_433, %min3A_445, %min3A_457, %min3A_469, %min3A_481 : vector<16xf32>, vector<16xf32>, vector<16xf32>, vector<16xf32>, vector<16xf32>, vector<16xf32>, vector<16xf32>, vector<16xf32>
      }
      %scan3A_127 = arith.constant 128 : i32
      %add3A_128 = arith.constant 0 : i32
      %add3A_129 = arith.addi %mul3A_46, %add3A_128 : i32
      %add3A_130 = arith.constant 0 : i32
      %add3A_131 = arith.addi %add3A_129, %add3A_130 : i32
      %mul3A_132 = arith.constant 16 : i32
      %mul3A_133 = arith.muli %add3A_131, %mul3A_132 : i32
      %swap3A = arith.index_cast %mul3A_133 : i32 to index
      %swap3A_134 = tpu.vector_load %arg9[%swap3A] {strides = array<i32>} : memref<4096xf32, #tpu.memory_space<vmem>>, vector<16xf32>,
      %swap3A_135 = vector.shape_cast %swap3A_134 : vector<16xf32> to vector<16xf32>
      %swap3A_136 = vector.shape_cast %scan3A_126#0 : vector<16xf32> to vector<16xf32>
      tpu.vector_store %arg9[%swap3A], %swap3A_136 {strides = array<i32>} : memref<4096xf32, #tpu.memory_space<vmem>>, vector<16xf32>,
      %add3A_137 = arith.constant 0 : i32
      %add3A_138 = arith.addi %mul3A_46, %add3A_137 : i32
      %add3A_139 = arith.constant 1 : i32
      %add3A_140 = arith.addi %add3A_138, %add3A_139 : i32
      %mul3A_141 = arith.constant 16 : i32
      %mul3A_142 = arith.muli %add3A_140, %mul3A_141 : i32
      %swap3A_143 = arith.index_cast %mul3A_142 : i32 to index
      %swap3A_144 = tpu.vector_load %arg9[%swap3A_143] {strides = array<i32>} : memref<4096xf32, #tpu.memory_space<vmem>>, vector<16xf32>,
      %swap3A_145 = vector.shape_cast %swap3A_144 : vector<16xf32> to vector<16xf32>
      %swap3A_146 = vector.shape_cast %scan3A_126#1 : vector<16xf32> to vector<16xf32>
      tpu.vector_store %arg9[%swap3A_143], %swap3A_146 {strides = array<i32>} : memref<4096xf32, #tpu.memory_space<vmem>>, vector<16xf32>,
      %add3A_147 = arith.constant 0 : i32
      %add3A_148 = arith.addi %mul3A_46, %add3A_147 : i32
      %add3A_149 = arith.constant 2 : i32
      %add3A_150 = arith.addi %add3A_148, %add3A_149 : i32
      %mul3A_151 = arith.constant 16 : i32
      %mul3A_152 = arith.muli %add3A_150, %mul3A_151 : i32
      %swap3A_153 = arith.index_cast %mul3A_152 : i32 to index
      %swap3A_154 = tpu.vector_load %arg9[%swap3A_153] {strides = array<i32>} : memref<4096xf32, #tpu.memory_space<vmem>>, vector<16xf32>,
      %swap3A_155 = vector.shape_cast %swap3A_154 : vector<16xf32> to vector<16xf32>
      %swap3A_156 = vector.shape_cast %scan3A_126#2 : vector<16xf32> to vector<16xf32>
      tpu.vector_store %arg9[%swap3A_153], %swap3A_156 {strides = array<i32>} : memref<4096xf32, #tpu.memory_space<vmem>>, vector<16xf32>,
      %add3A_157 = arith.constant 0 : i32
      %add3A_158 = arith.addi %mul3A_46, %add3A_157 : i32
      %add3A_159 = arith.constant 3 : i32
      %add3A_160 = arith.addi %add3A_158, %add3A_159 : i32
      %mul3A_161 = arith.constant 16 : i32
      %mul3A_162 = arith.muli %add3A_160, %mul3A_161 : i32
      %swap3A_163 = arith.index_cast %mul3A_162 : i32 to index
      %swap3A_164 = tpu.vector_load %arg9[%swap3A_163] {strides = array<i32>} : memref<4096xf32, #tpu.memory_space<vmem>>, vector<16xf32>,
      %swap3A_165 = vector.shape_cast %swap3A_164 : vector<16xf32> to vector<16xf32>
      %swap3A_166 = vector.shape_cast %scan3A_126#3 : vector<16xf32> to vector<16xf32>
      tpu.vector_store %arg9[%swap3A_163], %swap3A_166 {strides = array<i32>} : memref<4096xf32, #tpu.memory_space<vmem>>, vector<16xf32>,
      %add3A_167 = arith.constant 0 : i32
      %add3A_168 = arith.addi %mul3A_46, %add3A_167 : i32
      %add3A_169 = arith.constant 4 : i32
      %add3A_170 = arith.addi %add3A_168, %add3A_169 : i32
      %mul3A_171 = arith.constant 16 : i32
      %mul3A_172 = arith.muli %add3A_170, %mul3A_171 : i32
      %swap3A_173 = arith.index_cast %mul3A_172 : i32 to index
      %swap3A_174 = tpu.vector_load %arg9[%swap3A_173] {strides = array<i32>} : memref<4096xf32, #tpu.memory_space<vmem>>, vector<16xf32>,
      %swap3A_175 = vector.shape_cast %swap3A_174 : vector<16xf32> to vector<16xf32>
      %swap3A_176 = vector.shape_cast %scan3A_126#4 : vector<16xf32> to vector<16xf32>
      tpu.vector_store %arg9[%swap3A_173], %swap3A_176 {strides = array<i32>} : memref<4096xf32, #tpu.memory_space<vmem>>, vector<16xf32>,
      %add3A_177 = arith.constant 0 : i32
      %add3A_178 = arith.addi %mul3A_46, %add3A_177 : i32
      %add3A_179 = arith.constant 5 : i32
      %add3A_180 = arith.addi %add3A_178, %add3A_179 : i32
      %mul3A_181 = arith.constant 16 : i32
      %mul3A_182 = arith.muli %add3A_180, %mul3A_181 : i32
      %swap3A_183 = arith.index_cast %mul3A_182 : i32 to index
      %swap3A_184 = tpu.vector_load %arg9[%swap3A_183] {strides = array<i32>} : memref<4096xf32, #tpu.memory_space<vmem>>, vector<16xf32>,
      %swap3A_185 = vector.shape_cast %swap3A_184 : vector<16xf32> to vector<16xf32>
      %swap3A_186 = vector.shape_cast %scan3A_126#5 : vector<16xf32> to vector<16xf32>
      tpu.vector_store %arg9[%swap3A_183], %swap3A_186 {strides = array<i32>} : memref<4096xf32, #tpu.memory_space<vmem>>, vector<16xf32>,
      %add3A_187 = arith.constant 0 : i32
      %add3A_188 = arith.addi %mul3A_46, %add3A_187 : i32
      %add3A_189 = arith.constant 6 : i32
      %add3A_190 = arith.addi %add3A_188, %add3A_189 : i32
      %mul3A_191 = arith.constant 16 : i32
      %mul3A_192 = arith.muli %add3A_190, %mul3A_191 : i32
      %swap3A_193 = arith.index_cast %mul3A_192 : i32 to index
      %swap3A_194 = tpu.vector_load %arg9[%swap3A_193] {strides = array<i32>} : memref<4096xf32, #tpu.memory_space<vmem>>, vector<16xf32>,
      %swap3A_195 = vector.shape_cast %swap3A_194 : vector<16xf32> to vector<16xf32>
      %swap3A_196 = vector.shape_cast %scan3A_126#6 : vector<16xf32> to vector<16xf32>
      tpu.vector_store %arg9[%swap3A_193], %swap3A_196 {strides = array<i32>} : memref<4096xf32, #tpu.memory_space<vmem>>, vector<16xf32>,
      %add3A_197 = arith.constant 0 : i32
      %add3A_198 = arith.addi %mul3A_46, %add3A_197 : i32
      %add3A_199 = arith.constant 7 : i32
      %add3A_200 = arith.addi %add3A_198, %add3A_199 : i32
      %mul3A_201 = arith.constant 16 : i32
      %mul3A_202 = arith.muli %add3A_200, %mul3A_201 : i32
      %swap3A_203 = arith.index_cast %mul3A_202 : i32 to index
      %swap3A_204 = tpu.vector_load %arg9[%swap3A_203] {strides = array<i32>} : memref<4096xf32, #tpu.memory_space<vmem>>, vector<16xf32>,
      %swap3A_205 = vector.shape_cast %swap3A_204 : vector<16xf32> to vector<16xf32>
      %swap3A_206 = vector.shape_cast %scan3A_126#7 : vector<16xf32> to vector<16xf32>
      tpu.vector_store %arg9[%swap3A_203], %swap3A_206 {strides = array<i32>} : memref<4096xf32, #tpu.memory_space<vmem>>, vector<16xf32>,
      %slice3A_207 = vector.extract_strided_slice %get3A_50 {offsets = [8], sizes = [1], strides = [1]} : vector<16xf32> to vector<1xf32>
      %squeeze3A_208 = vector.extract %slice3A_207[0] : f32 from vector<1xf32>
      %slice3A_209 = vector.extract_strided_slice %get3A_55 {offsets = [8], sizes = [1], strides = [1]} : vector<16xf32> to vector<1xf32>
      %squeeze3A_210 = vector.extract %slice3A_209[0] : f32 from vector<1xf32>
      %slice3A_211 = vector.extract_strided_slice %get3A_60 {offsets = [8], sizes = [1], strides = [1]} : vector<16xf32> to vector<1xf32>
      %squeeze3A_212 = vector.extract %slice3A_211[0] : f32 from vector<1xf32>
      %slice3A_213 = vector.extract_strided_slice %get3A_50 {offsets = [9], sizes = [1], strides = [1]} : vector<16xf32> to vector<1xf32>
      %squeeze3A_214 = vector.extract %slice3A_213[0] : f32 from vector<1xf32>
      %slice3A_215 = vector.extract_strided_slice %get3A_55 {offsets = [9], sizes = [1], strides = [1]} : vector<16xf32> to vector<1xf32>
      %squeeze3A_216 = vector.extract %slice3A_215[0] : f32 from vector<1xf32>
      %slice3A_217 = vector.extract_strided_slice %get3A_60 {offsets = [9], sizes = [1], strides = [1]} : vector<16xf32> to vector<1xf32>
      %squeeze3A_218 = vector.extract %slice3A_217[0] : f32 from vector<1xf32>
      %slice3A_219 = vector.extract_strided_slice %get3A_50 {offsets = [10], sizes = [1], strides = [1]} : vector<16xf32> to vector<1xf32>
      %squeeze3A_220 = vector.extract %slice3A_219[0] : f32 from vector<1xf32>
      %slice3A_221 = vector.extract_strided_slice %get3A_55 {offsets = [10], sizes = [1], strides = [1]} : vector<16xf32> to vector<1xf32>
      %squeeze3A_222 = vector.extract %slice3A_221[0] : f32 from vector<1xf32>
      %slice3A_223 = vector.extract_strided_slice %get3A_60 {offsets = [10], sizes = [1], strides = [1]} : vector<16xf32> to vector<1xf32>
      %squeeze3A_224 = vector.extract %slice3A_223[0] : f32 from vector<1xf32>
      %slice3A_225 = vector.extract_strided_slice %get3A_50 {offsets = [11], sizes = [1], strides = [1]} : vector<16xf32> to vector<1xf32>
      %squeeze3A_226 = vector.extract %slice3A_225[0] : f32 from vector<1xf32>
      %slice3A_227 = vector.extract_strided_slice %get3A_55 {offsets = [11], sizes = [1], strides = [1]} : vector<16xf32> to vector<1xf32>
      %squeeze3A_228 = vector.extract %slice3A_227[0] : f32 from vector<1xf32>
      %slice3A_229 = vector.extract_strided_slice %get3A_60 {offsets = [11], sizes = [1], strides = [1]} : vector<16xf32> to vector<1xf32>
      %squeeze3A_230 = vector.extract %slice3A_229[0] : f32 from vector<1xf32>
      %slice3A_231 = vector.extract_strided_slice %get3A_50 {offsets = [12], sizes = [1], strides = [1]} : vector<16xf32> to vector<1xf32>
      %squeeze3A_232 = vector.extract %slice3A_231[0] : f32 from vector<1xf32>
      %slice3A_233 = vector.extract_strided_slice %get3A_55 {offsets = [12], sizes = [1], strides = [1]} : vector<16xf32> to vector<1xf32>
      %squeeze3A_234 = vector.extract %slice3A_233[0] : f32 from vector<1xf32>
      %slice3A_235 = vector.extract_strided_slice %get3A_60 {offsets = [12], sizes = [1], strides = [1]} : vector<16xf32> to vector<1xf32>
      %squeeze3A_236 = vector.extract %slice3A_235[0] : f32 from vector<1xf32>
      %slice3A_237 = vector.extract_strided_slice %get3A_50 {offsets = [13], sizes = [1], strides = [1]} : vector<16xf32> to vector<1xf32>
      %squeeze3A_238 = vector.extract %slice3A_237[0] : f32 from vector<1xf32>
      %slice3A_239 = vector.extract_strided_slice %get3A_55 {offsets = [13], sizes = [1], strides = [1]} : vector<16xf32> to vector<1xf32>
      %squeeze3A_240 = vector.extract %slice3A_239[0] : f32 from vector<1xf32>
      %slice3A_241 = vector.extract_strided_slice %get3A_60 {offsets = [13], sizes = [1], strides = [1]} : vector<16xf32> to vector<1xf32>
      %squeeze3A_242 = vector.extract %slice3A_241[0] : f32 from vector<1xf32>
      %slice3A_243 = vector.extract_strided_slice %get3A_50 {offsets = [14], sizes = [1], strides = [1]} : vector<16xf32> to vector<1xf32>
      %squeeze3A_244 = vector.extract %slice3A_243[0] : f32 from vector<1xf32>
      %slice3A_245 = vector.extract_strided_slice %get3A_55 {offsets = [14], sizes = [1], strides = [1]} : vector<16xf32> to vector<1xf32>
      %squeeze3A_246 = vector.extract %slice3A_245[0] : f32 from vector<1xf32>
      %slice3A_247 = vector.extract_strided_slice %get3A_60 {offsets = [14], sizes = [1], strides = [1]} : vector<16xf32> to vector<1xf32>
      %squeeze3A_248 = vector.extract %slice3A_247[0] : f32 from vector<1xf32>
      %slice3A_249 = vector.extract_strided_slice %get3A_50 {offsets = [15], sizes = [1], strides = [1]} : vector<16xf32> to vector<1xf32>
      %squeeze3A_250 = vector.extract %slice3A_249[0] : f32 from vector<1xf32>
      %slice3A_251 = vector.extract_strided_slice %get3A_55 {offsets = [15], sizes = [1], strides = [1]} : vector<16xf32> to vector<1xf32>
      %squeeze3A_252 = vector.extract %slice3A_251[0] : f32 from vector<1xf32>
      %slice3A_253 = vector.extract_strided_slice %get3A_60 {offsets = [15], sizes = [1], strides = [1]} : vector<16xf32> to vector<1xf32>
      %squeeze3A_254 = vector.extract %slice3A_253[0] : f32 from vector<1xf32>
      %broadcast_in_dim3A_255 = arith.constant 0x7F800000 : f32
      %broadcast_in_dim3A_256 = vector.broadcast %broadcast_in_dim3A_255 : f32 to vector<16xf32>
      %broadcast_in_dim3A_257 = arith.constant 0x7F800000 : f32
      %broadcast_in_dim3A_258 = vector.broadcast %broadcast_in_dim3A_257 : f32 to vector<16xf32>
      %broadcast_in_dim3A_259 = arith.constant 0x7F800000 : f32
      %broadcast_in_dim3A_260 = vector.broadcast %broadcast_in_dim3A_259 : f32 to vector<16xf32>
      %broadcast_in_dim3A_261 = arith.constant 0x7F800000 : f32
      %broadcast_in_dim3A_262 = vector.broadcast %broadcast_in_dim3A_261 : f32 to vector<16xf32>
      %broadcast_in_dim3A_263 = arith.constant 0x7F800000 : f32
      %broadcast_in_dim3A_264 = vector.broadcast %broadcast_in_dim3A_263 : f32 to vector<16xf32>
      %broadcast_in_dim3A_265 = arith.constant 0x7F800000 : f32
      %broadcast_in_dim3A_266 = vector.broadcast %broadcast_in_dim3A_265 : f32 to vector<16xf32>
      %broadcast_in_dim3A_267 = arith.constant 0x7F800000 : f32
      %broadcast_in_dim3A_268 = vector.broadcast %broadcast_in_dim3A_267 : f32 to vector<16xf32>
      %broadcast_in_dim3A_269 = arith.constant 0x7F800000 : f32
      %broadcast_in_dim3A_270 = vector.broadcast %broadcast_in_dim3A_269 : f32 to vector<16xf32>
      %scan3A_271 = arith.constant 0 : i32
      %scan3A_272 = arith.constant 128 : i32
      %scan3A_273 = arith.addi %scan3A_271, %scan3A_272 : i32
      %scan3A_274 = arith.constant 1 : i32
      %scan3A_275:8 = scf.for %scan3A_357 = %scan3A_271 to %scan3A_273 step %scan3A_274 iter_args(%scan3A_358 = %broadcast_in_dim3A_256, %scan3A_359 = %broadcast_in_dim3A_258, %scan3A_360 = %broadcast_in_dim3A_260, %scan3A_361 = %broadcast_in_dim3A_262, %scan3A_362 = %broadcast_in_dim3A_264, %scan3A_363 = %broadcast_in_dim3A_266, %scan3A_364 = %broadcast_in_dim3A_268, %scan3A_365 = %broadcast_in_dim3A_270) -> (vector<16xf32>, vector<16xf32>, vector<16xf32>, vector<16xf32>, vector<16xf32>, vector<16xf32>, vector<16xf32>, vector<16xf32>)  : i32 {
        %mul3A_366 = arith.constant 16 : i32
        %mul3A_367 = arith.muli %scan3A_357, %mul3A_366 : i32
        %get3A_368 = arith.constant 0 : i32
        %get3A_369 = arith.index_cast %get3A_368 : i32 to index
        %get3A_370 = arith.index_cast %mul3A_367 : i32 to index
        %get3A_371 = tpu.vector_load %arg7[%get3A_369, %get3A_370] {strides = array<i32>} : memref<3x2048xf32, #tpu.memory_space<vmem>>, vector<1x16xf32>,
        %get3A_372 = vector.shape_cast %get3A_371 : vector<1x16xf32> to vector<16xf32>
        %mul3A_373 = arith.constant 16 : i32
        %mul3A_374 = arith.muli %scan3A_357, %mul3A_373 : i32
        %get3A_375 = arith.constant 1 : i32
        %get3A_376 = arith.index_cast %get3A_375 : i32 to index
        %get3A_377 = arith.index_cast %mul3A_374 : i32 to index
        %get3A_378 = tpu.vector_load %arg7[%get3A_376, %get3A_377] {strides = array<i32>} : memref<3x2048xf32, #tpu.memory_space<vmem>>, vector<1x16xf32>,
        %get3A_379 = vector.shape_cast %get3A_378 : vector<1x16xf32> to vector<16xf32>
        %mul3A_380 = arith.constant 16 : i32
        %mul3A_381 = arith.muli %scan3A_357, %mul3A_380 : i32
        %get3A_382 = arith.constant 2 : i32
        %get3A_383 = arith.index_cast %get3A_382 : i32 to index
        %get3A_384 = arith.index_cast %mul3A_381 : i32 to index
        %get3A_385 = tpu.vector_load %arg7[%get3A_383, %get3A_384] {strides = array<i32>} : memref<3x2048xf32, #tpu.memory_space<vmem>>, vector<1x16xf32>,
        %get3A_386 = vector.shape_cast %get3A_385 : vector<1x16xf32> to vector<16xf32>
        %sub3A_387 = vector.broadcast %squeeze3A_208 : f32 to vector<16xf32>
        %sub3A_388 = arith.subf %get3A_372, %sub3A_387 : vector<16xf32>
        %sub3A_389 = vector.broadcast %squeeze3A_210 : f32 to vector<16xf32>
        %sub3A_390 = arith.subf %get3A_379, %sub3A_389 : vector<16xf32>
        %sub3A_391 = vector.broadcast %squeeze3A_212 : f32 to vector<16xf32>
        %sub3A_392 = arith.subf %get3A_386, %sub3A_391 : vector<16xf32>
        %mul3A_393 = arith.mulf %sub3A_388, %sub3A_388 : vector<16xf32>
        %mul3A_394 = arith.mulf %sub3A_390, %sub3A_390 : vector<16xf32>
        %add3A_395 = arith.addf %mul3A_393, %mul3A_394 : vector<16xf32>
        %mul3A_396 = arith.mulf %sub3A_392, %sub3A_392 : vector<16xf32>
        %add3A_397 = arith.addf %add3A_395, %mul3A_396 : vector<16xf32>
        %min3A = arith.minimumf %scan3A_358, %add3A_397 : vector<16xf32>
        %sub3A_398 = vector.broadcast %squeeze3A_214 : f32 to vector<16xf32>
        %sub3A_399 = arith.subf %get3A_372, %sub3A_398 : vector<16xf32>
        %sub3A_400 = vector.broadcast %squeeze3A_216 : f32 to vector<16xf32>
        %sub3A_401 = arith.subf %get3A_379, %sub3A_400 : vector<16xf32>
        %sub3A_402 = vector.broadcast %squeeze3A_218 : f32 to vector<16xf32>
        %sub3A_403 = arith.subf %get3A_386, %sub3A_402 : vector<16xf32>
        %mul3A_404 = arith.mulf %sub3A_399, %sub3A_399 : vector<16xf32>
        %mul3A_405 = arith.mulf %sub3A_401, %sub3A_401 : vector<16xf32>
        %add3A_406 = arith.addf %mul3A_404, %mul3A_405 : vector<16xf32>
        %mul3A_407 = arith.mulf %sub3A_403, %sub3A_403 : vector<16xf32>
        %add3A_408 = arith.addf %add3A_406, %mul3A_407 : vector<16xf32>
        %min3A_409 = arith.minimumf %scan3A_359, %add3A_408 : vector<16xf32>
        %sub3A_410 = vector.broadcast %squeeze3A_220 : f32 to vector<16xf32>
        %sub3A_411 = arith.subf %get3A_372, %sub3A_410 : vector<16xf32>
        %sub3A_412 = vector.broadcast %squeeze3A_222 : f32 to vector<16xf32>
        %sub3A_413 = arith.subf %get3A_379, %sub3A_412 : vector<16xf32>
        %sub3A_414 = vector.broadcast %squeeze3A_224 : f32 to vector<16xf32>
        %sub3A_415 = arith.subf %get3A_386, %sub3A_414 : vector<16xf32>
        %mul3A_416 = arith.mulf %sub3A_411, %sub3A_411 : vector<16xf32>
        %mul3A_417 = arith.mulf %sub3A_413, %sub3A_413 : vector<16xf32>
        %add3A_418 = arith.addf %mul3A_416, %mul3A_417 : vector<16xf32>
        %mul3A_419 = arith.mulf %sub3A_415, %sub3A_415 : vector<16xf32>
        %add3A_420 = arith.addf %add3A_418, %mul3A_419 : vector<16xf32>
        %min3A_421 = arith.minimumf %scan3A_360, %add3A_420 : vector<16xf32>
        %sub3A_422 = vector.broadcast %squeeze3A_226 : f32 to vector<16xf32>
        %sub3A_423 = arith.subf %get3A_372, %sub3A_422 : vector<16xf32>
        %sub3A_424 = vector.broadcast %squeeze3A_228 : f32 to vector<16xf32>
        %sub3A_425 = arith.subf %get3A_379, %sub3A_424 : vector<16xf32>
        %sub3A_426 = vector.broadcast %squeeze3A_230 : f32 to vector<16xf32>
        %sub3A_427 = arith.subf %get3A_386, %sub3A_426 : vector<16xf32>
        %mul3A_428 = arith.mulf %sub3A_423, %sub3A_423 : vector<16xf32>
        %mul3A_429 = arith.mulf %sub3A_425, %sub3A_425 : vector<16xf32>
        %add3A_430 = arith.addf %mul3A_428, %mul3A_429 : vector<16xf32>
        %mul3A_431 = arith.mulf %sub3A_427, %sub3A_427 : vector<16xf32>
        %add3A_432 = arith.addf %add3A_430, %mul3A_431 : vector<16xf32>
        %min3A_433 = arith.minimumf %scan3A_361, %add3A_432 : vector<16xf32>
        %sub3A_434 = vector.broadcast %squeeze3A_232 : f32 to vector<16xf32>
        %sub3A_435 = arith.subf %get3A_372, %sub3A_434 : vector<16xf32>
        %sub3A_436 = vector.broadcast %squeeze3A_234 : f32 to vector<16xf32>
        %sub3A_437 = arith.subf %get3A_379, %sub3A_436 : vector<16xf32>
        %sub3A_438 = vector.broadcast %squeeze3A_236 : f32 to vector<16xf32>
        %sub3A_439 = arith.subf %get3A_386, %sub3A_438 : vector<16xf32>
        %mul3A_440 = arith.mulf %sub3A_435, %sub3A_435 : vector<16xf32>
        %mul3A_441 = arith.mulf %sub3A_437, %sub3A_437 : vector<16xf32>
        %add3A_442 = arith.addf %mul3A_440, %mul3A_441 : vector<16xf32>
        %mul3A_443 = arith.mulf %sub3A_439, %sub3A_439 : vector<16xf32>
        %add3A_444 = arith.addf %add3A_442, %mul3A_443 : vector<16xf32>
        %min3A_445 = arith.minimumf %scan3A_362, %add3A_444 : vector<16xf32>
        %sub3A_446 = vector.broadcast %squeeze3A_238 : f32 to vector<16xf32>
        %sub3A_447 = arith.subf %get3A_372, %sub3A_446 : vector<16xf32>
        %sub3A_448 = vector.broadcast %squeeze3A_240 : f32 to vector<16xf32>
        %sub3A_449 = arith.subf %get3A_379, %sub3A_448 : vector<16xf32>
        %sub3A_450 = vector.broadcast %squeeze3A_242 : f32 to vector<16xf32>
        %sub3A_451 = arith.subf %get3A_386, %sub3A_450 : vector<16xf32>
        %mul3A_452 = arith.mulf %sub3A_447, %sub3A_447 : vector<16xf32>
        %mul3A_453 = arith.mulf %sub3A_449, %sub3A_449 : vector<16xf32>
        %add3A_454 = arith.addf %mul3A_452, %mul3A_453 : vector<16xf32>
        %mul3A_455 = arith.mulf %sub3A_451, %sub3A_451 : vector<16xf32>
        %add3A_456 = arith.addf %add3A_454, %mul3A_455 : vector<16xf32>
        %min3A_457 = arith.minimumf %scan3A_363, %add3A_456 : vector<16xf32>
        %sub3A_458 = vector.broadcast %squeeze3A_244 : f32 to vector<16xf32>
        %sub3A_459 = arith.subf %get3A_372, %sub3A_458 : vector<16xf32>
        %sub3A_460 = vector.broadcast %squeeze3A_246 : f32 to vector<16xf32>
        %sub3A_461 = arith.subf %get3A_379, %sub3A_460 : vector<16xf32>
        %sub3A_462 = vector.broadcast %squeeze3A_248 : f32 to vector<16xf32>
        %sub3A_463 = arith.subf %get3A_386, %sub3A_462 : vector<16xf32>
        %mul3A_464 = arith.mulf %sub3A_459, %sub3A_459 : vector<16xf32>
        %mul3A_465 = arith.mulf %sub3A_461, %sub3A_461 : vector<16xf32>
        %add3A_466 = arith.addf %mul3A_464, %mul3A_465 : vector<16xf32>
        %mul3A_467 = arith.mulf %sub3A_463, %sub3A_463 : vector<16xf32>
        %add3A_468 = arith.addf %add3A_466, %mul3A_467 : vector<16xf32>
        %min3A_469 = arith.minimumf %scan3A_364, %add3A_468 : vector<16xf32>
        %sub3A_470 = vector.broadcast %squeeze3A_250 : f32 to vector<16xf32>
        %sub3A_471 = arith.subf %get3A_372, %sub3A_470 : vector<16xf32>
        %sub3A_472 = vector.broadcast %squeeze3A_252 : f32 to vector<16xf32>
        %sub3A_473 = arith.subf %get3A_379, %sub3A_472 : vector<16xf32>
        %sub3A_474 = vector.broadcast %squeeze3A_254 : f32 to vector<16xf32>
        %sub3A_475 = arith.subf %get3A_386, %sub3A_474 : vector<16xf32>
        %mul3A_476 = arith.mulf %sub3A_471, %sub3A_471 : vector<16xf32>
        %mul3A_477 = arith.mulf %sub3A_473, %sub3A_473 : vector<16xf32>
        %add3A_478 = arith.addf %mul3A_476, %mul3A_477 : vector<16xf32>
        %mul3A_479 = arith.mulf %sub3A_475, %sub3A_475 : vector<16xf32>
        %add3A_480 = arith.addf %add3A_478, %mul3A_479 : vector<16xf32>
        %min3A_481 = arith.minimumf %scan3A_365, %add3A_480 : vector<16xf32>
        %min3A_482 = arith.minimumf %add3A_397, %add3A_408 : vector<16xf32>
        %min3A_483 = arith.minimumf %min3A_482, %add3A_420 : vector<16xf32>
        %min3A_484 = arith.minimumf %min3A_483, %add3A_432 : vector<16xf32>
        %min3A_485 = arith.minimumf %min3A_484, %add3A_444 : vector<16xf32>
        %min3A_486 = arith.minimumf %min3A_485, %add3A_456 : vector<16xf32>
        %min3A_487 = arith.minimumf %min3A_486, %add3A_468 : vector<16xf32>
        %min3A_488 = arith.minimumf %min3A_487, %add3A_480 : vector<16xf32>
        %mul3A_489 = arith.constant 16 : i32
        %mul3A_490 = arith.muli %scan3A_357, %mul3A_489 : i32
        %get3A_491 = arith.index_cast %mul3A_490 : i32 to index
        %get3A_492 = tpu.vector_load %arg8[%get3A_491] {strides = array<i32>} : memref<2048xf32, #tpu.memory_space<vmem>>, vector<16xf32>,
        %get3A_493 = vector.shape_cast %get3A_492 : vector<16xf32> to vector<16xf32>
        %min3A_494 = arith.minimumf %get3A_493, %min3A_488 : vector<16xf32>
        %swap3A_495 = arith.index_cast %mul3A_490 : i32 to index
        %swap3A_496 = tpu.vector_load %arg8[%swap3A_495] {strides = array<i32>} : memref<2048xf32, #tpu.memory_space<vmem>>, vector<16xf32>,
        %swap3A_497 = vector.shape_cast %swap3A_496 : vector<16xf32> to vector<16xf32>
        %swap3A_498 = vector.shape_cast %min3A_494 : vector<16xf32> to vector<16xf32>
        tpu.vector_store %arg8[%swap3A_495], %swap3A_498 {strides = array<i32>} : memref<2048xf32, #tpu.memory_space<vmem>>, vector<16xf32>,
        scf.yield %min3A, %min3A_409, %min3A_421, %min3A_433, %min3A_445, %min3A_457, %min3A_469, %min3A_481 : vector<16xf32>, vector<16xf32>, vector<16xf32>, vector<16xf32>, vector<16xf32>, vector<16xf32>, vector<16xf32>, vector<16xf32>
      }
      %scan3A_276 = arith.constant 128 : i32
      %add3A_277 = arith.constant 8 : i32
      %add3A_278 = arith.addi %mul3A_46, %add3A_277 : i32
      %add3A_279 = arith.constant 0 : i32
      %add3A_280 = arith.addi %add3A_278, %add3A_279 : i32
      %mul3A_281 = arith.constant 16 : i32
      %mul3A_282 = arith.muli %add3A_280, %mul3A_281 : i32
      %swap3A_283 = arith.index_cast %mul3A_282 : i32 to index
      %swap3A_284 = tpu.vector_load %arg9[%swap3A_283] {strides = array<i32>} : memref<4096xf32, #tpu.memory_space<vmem>>, vector<16xf32>,
      %swap3A_285 = vector.shape_cast %swap3A_284 : vector<16xf32> to vector<16xf32>
      %swap3A_286 = vector.shape_cast %scan3A_275#0 : vector<16xf32> to vector<16xf32>
      tpu.vector_store %arg9[%swap3A_283], %swap3A_286 {strides = array<i32>} : memref<4096xf32, #tpu.memory_space<vmem>>, vector<16xf32>,
      %add3A_287 = arith.constant 8 : i32
      %add3A_288 = arith.addi %mul3A_46, %add3A_287 : i32
      %add3A_289 = arith.constant 1 : i32
      %add3A_290 = arith.addi %add3A_288, %add3A_289 : i32
      %mul3A_291 = arith.constant 16 : i32
      %mul3A_292 = arith.muli %add3A_290, %mul3A_291 : i32
      %swap3A_293 = arith.index_cast %mul3A_292 : i32 to index
      %swap3A_294 = tpu.vector_load %arg9[%swap3A_293] {strides = array<i32>} : memref<4096xf32, #tpu.memory_space<vmem>>, vector<16xf32>,
      %swap3A_295 = vector.shape_cast %swap3A_294 : vector<16xf32> to vector<16xf32>
      %swap3A_296 = vector.shape_cast %scan3A_275#1 : vector<16xf32> to vector<16xf32>
      tpu.vector_store %arg9[%swap3A_293], %swap3A_296 {strides = array<i32>} : memref<4096xf32, #tpu.memory_space<vmem>>, vector<16xf32>,
      %add3A_297 = arith.constant 8 : i32
      %add3A_298 = arith.addi %mul3A_46, %add3A_297 : i32
      %add3A_299 = arith.constant 2 : i32
      %add3A_300 = arith.addi %add3A_298, %add3A_299 : i32
      %mul3A_301 = arith.constant 16 : i32
      %mul3A_302 = arith.muli %add3A_300, %mul3A_301 : i32
      %swap3A_303 = arith.index_cast %mul3A_302 : i32 to index
      %swap3A_304 = tpu.vector_load %arg9[%swap3A_303] {strides = array<i32>} : memref<4096xf32, #tpu.memory_space<vmem>>, vector<16xf32>,
      %swap3A_305 = vector.shape_cast %swap3A_304 : vector<16xf32> to vector<16xf32>
      %swap3A_306 = vector.shape_cast %scan3A_275#2 : vector<16xf32> to vector<16xf32>
      tpu.vector_store %arg9[%swap3A_303], %swap3A_306 {strides = array<i32>} : memref<4096xf32, #tpu.memory_space<vmem>>, vector<16xf32>,
      %add3A_307 = arith.constant 8 : i32
      %add3A_308 = arith.addi %mul3A_46, %add3A_307 : i32
      %add3A_309 = arith.constant 3 : i32
      %add3A_310 = arith.addi %add3A_308, %add3A_309 : i32
      %mul3A_311 = arith.constant 16 : i32
      %mul3A_312 = arith.muli %add3A_310, %mul3A_311 : i32
      %swap3A_313 = arith.index_cast %mul3A_312 : i32 to index
      %swap3A_314 = tpu.vector_load %arg9[%swap3A_313] {strides = array<i32>} : memref<4096xf32, #tpu.memory_space<vmem>>, vector<16xf32>,
      %swap3A_315 = vector.shape_cast %swap3A_314 : vector<16xf32> to vector<16xf32>
      %swap3A_316 = vector.shape_cast %scan3A_275#3 : vector<16xf32> to vector<16xf32>
      tpu.vector_store %arg9[%swap3A_313], %swap3A_316 {strides = array<i32>} : memref<4096xf32, #tpu.memory_space<vmem>>, vector<16xf32>,
      %add3A_317 = arith.constant 8 : i32
      %add3A_318 = arith.addi %mul3A_46, %add3A_317 : i32
      %add3A_319 = arith.constant 4 : i32
      %add3A_320 = arith.addi %add3A_318, %add3A_319 : i32
      %mul3A_321 = arith.constant 16 : i32
      %mul3A_322 = arith.muli %add3A_320, %mul3A_321 : i32
      %swap3A_323 = arith.index_cast %mul3A_322 : i32 to index
      %swap3A_324 = tpu.vector_load %arg9[%swap3A_323] {strides = array<i32>} : memref<4096xf32, #tpu.memory_space<vmem>>, vector<16xf32>,
      %swap3A_325 = vector.shape_cast %swap3A_324 : vector<16xf32> to vector<16xf32>
      %swap3A_326 = vector.shape_cast %scan3A_275#4 : vector<16xf32> to vector<16xf32>
      tpu.vector_store %arg9[%swap3A_323], %swap3A_326 {strides = array<i32>} : memref<4096xf32, #tpu.memory_space<vmem>>, vector<16xf32>,
      %add3A_327 = arith.constant 8 : i32
      %add3A_328 = arith.addi %mul3A_46, %add3A_327 : i32
      %add3A_329 = arith.constant 5 : i32
      %add3A_330 = arith.addi %add3A_328, %add3A_329 : i32
      %mul3A_331 = arith.constant 16 : i32
      %mul3A_332 = arith.muli %add3A_330, %mul3A_331 : i32
      %swap3A_333 = arith.index_cast %mul3A_332 : i32 to index
      %swap3A_334 = tpu.vector_load %arg9[%swap3A_333] {strides = array<i32>} : memref<4096xf32, #tpu.memory_space<vmem>>, vector<16xf32>,
      %swap3A_335 = vector.shape_cast %swap3A_334 : vector<16xf32> to vector<16xf32>
      %swap3A_336 = vector.shape_cast %scan3A_275#5 : vector<16xf32> to vector<16xf32>
      tpu.vector_store %arg9[%swap3A_333], %swap3A_336 {strides = array<i32>} : memref<4096xf32, #tpu.memory_space<vmem>>, vector<16xf32>,
      %add3A_337 = arith.constant 8 : i32
      %add3A_338 = arith.addi %mul3A_46, %add3A_337 : i32
      %add3A_339 = arith.constant 6 : i32
      %add3A_340 = arith.addi %add3A_338, %add3A_339 : i32
      %mul3A_341 = arith.constant 16 : i32
      %mul3A_342 = arith.muli %add3A_340, %mul3A_341 : i32
      %swap3A_343 = arith.index_cast %mul3A_342 : i32 to index
      %swap3A_344 = tpu.vector_load %arg9[%swap3A_343] {strides = array<i32>} : memref<4096xf32, #tpu.memory_space<vmem>>, vector<16xf32>,
      %swap3A_345 = vector.shape_cast %swap3A_344 : vector<16xf32> to vector<16xf32>
      %swap3A_346 = vector.shape_cast %scan3A_275#6 : vector<16xf32> to vector<16xf32>
      tpu.vector_store %arg9[%swap3A_343], %swap3A_346 {strides = array<i32>} : memref<4096xf32, #tpu.memory_space<vmem>>, vector<16xf32>,
      %add3A_347 = arith.constant 8 : i32
      %add3A_348 = arith.addi %mul3A_46, %add3A_347 : i32
      %add3A_349 = arith.constant 7 : i32
      %add3A_350 = arith.addi %add3A_348, %add3A_349 : i32
      %mul3A_351 = arith.constant 16 : i32
      %mul3A_352 = arith.muli %add3A_350, %mul3A_351 : i32
      %swap3A_353 = arith.index_cast %mul3A_352 : i32 to index
      %swap3A_354 = tpu.vector_load %arg9[%swap3A_353] {strides = array<i32>} : memref<4096xf32, #tpu.memory_space<vmem>>, vector<16xf32>,
      %swap3A_355 = vector.shape_cast %swap3A_354 : vector<16xf32> to vector<16xf32>
      %swap3A_356 = vector.shape_cast %scan3A_275#7 : vector<16xf32> to vector<16xf32>
      tpu.vector_store %arg9[%swap3A_353], %swap3A_356 {strides = array<i32>} : memref<4096xf32, #tpu.memory_space<vmem>>, vector<16xf32>,
    }
    %scan3A_43 = arith.constant 16 : i32
    "tpu.region"() ({
      %run_scoped3A = tpu.sem_alloc : memref<!tpu.dma_semaphore, #tpu.memory_space<semaphore_mem>>
      %dma_start3A = arith.constant 0 : i32
      %dma_start3A_44 = tpu.memref_slice %arg4[%select_n3A, %select_n3A_30, %dma_start3A] : memref<4x8x4096xf32, #tpu.memory_space<hbm>> -> memref<1x1x4096xf32, #tpu.memory_space<hbm>>
      %dma_start3A_45 = tpu.memref_squeeze %dma_start3A_44 : memref<1x1x4096xf32, #tpu.memory_space<hbm>> -> memref<4096xf32, #tpu.memory_space<hbm>>
      %dma_start3A_46 = arith.constant 0 : i32
      %dma_start3A_47 = tpu.memref_slice %arg4[%select_n3A, %select_n3A_30, %dma_start3A_46] : memref<4x8x4096xf32, #tpu.memory_space<hbm>> -> memref<1x1x4096xf32, #tpu.memory_space<hbm>>
      %dma_start3A_48 = tpu.memref_squeeze %dma_start3A_47 : memref<1x1x4096xf32, #tpu.memory_space<hbm>> -> memref<4096xf32, #tpu.memory_space<hbm>>
      tpu.enqueue_dma source(%arg9 : memref<4096xf32, #tpu.memory_space<vmem>>) target(%dma_start3A_48 : memref<4096xf32, #tpu.memory_space<hbm>>) target_semaphore(%run_scoped3A : memref<!tpu.dma_semaphore, #tpu.memory_space<semaphore_mem>>)
      %dma_wait3A = arith.constant 0 : i32
      %dma_wait3A_49 = tpu.memref_slice %arg4[%select_n3A, %select_n3A_30, %dma_wait3A] : memref<4x8x4096xf32, #tpu.memory_space<hbm>> -> memref<1x1x4096xf32, #tpu.memory_space<hbm>>
      %dma_wait3A_50 = tpu.memref_squeeze %dma_wait3A_49 : memref<1x1x4096xf32, #tpu.memory_space<hbm>> -> memref<4096xf32, #tpu.memory_space<hbm>>
      %dma_wait3A_51 = arith.constant 0 : i32
      %dma_wait3A_52 = tpu.memref_slice %arg4[%select_n3A, %select_n3A_30, %dma_wait3A_51] : memref<4x8x4096xf32, #tpu.memory_space<hbm>> -> memref<1x1x4096xf32, #tpu.memory_space<hbm>>
      %dma_wait3A_53 = tpu.memref_squeeze %dma_wait3A_52 : memref<1x1x4096xf32, #tpu.memory_space<hbm>> -> memref<4096xf32, #tpu.memory_space<hbm>>
      tpu.wait_dma2 semaphore(%run_scoped3A : memref<!tpu.dma_semaphore, #tpu.memory_space<semaphore_mem>>) src(%arg9 : memref<4096xf32, #tpu.memory_space<vmem>>) dst(%dma_wait3A_53 : memref<4096xf32, #tpu.memory_space<hbm>>)
      tpu.yield
    }) : () -> ()
    "tpu.region"() ({
      %run_scoped3A = tpu.sem_alloc : memref<!tpu.dma_semaphore, #tpu.memory_space<semaphore_mem>>
      %dma_start3A = arith.constant 0 : i32
      %dma_start3A_44 = tpu.memref_slice %arg5[%select_n3A, %select_n3A_30, %dma_start3A] : memref<4x8x2048xf32, #tpu.memory_space<hbm>> -> memref<1x1x2048xf32, #tpu.memory_space<hbm>>
      %dma_start3A_45 = tpu.memref_squeeze %dma_start3A_44 : memref<1x1x2048xf32, #tpu.memory_space<hbm>> -> memref<2048xf32, #tpu.memory_space<hbm>>
      %dma_start3A_46 = arith.constant 0 : i32
      %dma_start3A_47 = tpu.memref_slice %arg5[%select_n3A, %select_n3A_30, %dma_start3A_46] : memref<4x8x2048xf32, #tpu.memory_space<hbm>> -> memref<1x1x2048xf32, #tpu.memory_space<hbm>>
      %dma_start3A_48 = tpu.memref_squeeze %dma_start3A_47 : memref<1x1x2048xf32, #tpu.memory_space<hbm>> -> memref<2048xf32, #tpu.memory_space<hbm>>
      tpu.enqueue_dma source(%arg8 : memref<2048xf32, #tpu.memory_space<vmem>>) target(%dma_start3A_48 : memref<2048xf32, #tpu.memory_space<hbm>>) target_semaphore(%run_scoped3A : memref<!tpu.dma_semaphore, #tpu.memory_space<semaphore_mem>>)
      %dma_wait3A = arith.constant 0 : i32
      %dma_wait3A_49 = tpu.memref_slice %arg5[%select_n3A, %select_n3A_30, %dma_wait3A] : memref<4x8x2048xf32, #tpu.memory_space<hbm>> -> memref<1x1x2048xf32, #tpu.memory_space<hbm>>
      %dma_wait3A_50 = tpu.memref_squeeze %dma_wait3A_49 : memref<1x1x2048xf32, #tpu.memory_space<hbm>> -> memref<2048xf32, #tpu.memory_space<hbm>>
      %dma_wait3A_51 = arith.constant 0 : i32
      %dma_wait3A_52 = tpu.memref_slice %arg5[%select_n3A, %select_n3A_30, %dma_wait3A_51] : memref<4x8x2048xf32, #tpu.memory_space<hbm>> -> memref<1x1x2048xf32, #tpu.memory_space<hbm>>
      %dma_wait3A_53 = tpu.memref_squeeze %dma_wait3A_52 : memref<1x1x2048xf32, #tpu.memory_space<hbm>> -> memref<2048xf32, #tpu.memory_space<hbm>>
      tpu.wait_dma2 semaphore(%run_scoped3A : memref<!tpu.dma_semaphore, #tpu.memory_space<semaphore_mem>>) src(%arg8 : memref<2048xf32, #tpu.memory_space<vmem>>) dst(%dma_wait3A_53 : memref<2048xf32, #tpu.memory_space<hbm>>)
      tpu.yield
    }) : () -> ()
    return
  }
}

module attributes {stable_mosaic.version = 14 : i64} {
  func.func @_chamfer_body(%arg0: i32, %arg1: memref<4x2048x3xf32, #tpu.memory_space<vmem>>, %arg2: memref<4x3x2048xf32, #tpu.memory_space<vmem>>, %arg3: memref<4x1x1xf32, #tpu.memory_space<vmem>>) attributes {dimension_semantics = [#tpu.dimension_semantics<parallel>], iteration_bounds = array<i64: 3>, scalar_prefetch = 0 : i64, scratch_operands = 0 : i64, tpu.core_type = #tpu.core_type<tc>, window_params = [{transform_indices = @transform_0, window_bounds = array<i64: 4, 2048, 3>}, {transform_indices = @transform_1, window_bounds = array<i64: 4, 3, 2048>}, {transform_indices = @transform_2, window_bounds = array<i64: 4, 1, 1>}]} {
    %get3A = arith.constant 0 : index
    %get3A_0 = arith.constant 0 : index
    %get3A_1 = arith.constant 0 : index
    %get3A_2 = vector.load %arg2[%get3A, %get3A_0, %get3A_1] : memref<4x3x2048xf32, #tpu.memory_space<vmem>>, vector<1x3x2048xf32>
    %get3A_3 = vector.shape_cast %get3A_2 : vector<1x3x2048xf32> to vector<3x2048xf32>
    %mul3A = arith.mulf %get3A_3, %get3A_3 : vector<3x2048xf32>
    %reduce_sum3A = arith.constant dense<0.000000e+00> : vector<2048xf32>
    %reduce_sum3A_4 = vector.multi_reduction <add>, %mul3A, %reduce_sum3A [0] : vector<3x2048xf32> to vector<2048xf32>
    %broadcast_in_dim3A = vector.shape_cast %reduce_sum3A_4 : vector<2048xf32> to vector<1x2048xf32>
    %mul3A_5 = arith.constant 2.500000e-01 : f32
    %mul3A_6 = vector.broadcast %mul3A_5 : f32 to vector<1x2048xf32>
    %mul3A_7 = arith.mulf %mul3A_6, %broadcast_in_dim3A : vector<1x2048xf32>
    %convert_element_type3A = arith.truncf %mul3A_7 : vector<1x2048xf32> to vector<1x2048xbf16>
    %convert_element_type3A_8 = arith.extf %convert_element_type3A : vector<1x2048xbf16> to vector<1x2048xf32>
    %sub3A = arith.subf %mul3A_7, %convert_element_type3A_8 : vector<1x2048xf32>
    %broadcast_in_dim3A_9 = arith.constant 1.000000e+00 : f32
    %broadcast_in_dim3A_10 = vector.broadcast %broadcast_in_dim3A_9 : f32 to vector<1x2048xf32>
    %concatenate3A = tpu.concatenate %get3A_3, %convert_element_type3A_8, %sub3A, %broadcast_in_dim3A_10, %broadcast_in_dim3A_10 in 0 : vector<3x2048xf32>, vector<1x2048xf32>, vector<1x2048xf32>, vector<1x2048xf32>, vector<1x2048xf32> -> vector<7x2048xf32>
    %get3A_11 = arith.constant 0 : index
    %get3A_12 = arith.constant 0 : index
    %get3A_13 = arith.constant 0 : index
    %get3A_14 = vector.load %arg1[%get3A_11, %get3A_12, %get3A_13] : memref<4x2048x3xf32, #tpu.memory_space<vmem>>, vector<1x2048x3xf32>
    %get3A_15 = vector.shape_cast %get3A_14 : vector<1x2048x3xf32> to vector<2048x3xf32>
    %mul3A_16 = arith.mulf %get3A_15, %get3A_15 : vector<2048x3xf32>
    %reduce_sum3A_17 = arith.constant dense<0.000000e+00> : vector<2048xf32>
    %reduce_sum3A_18 = vector.multi_reduction <add>, %mul3A_16, %reduce_sum3A_17 [1] : vector<2048x3xf32> to vector<2048xf32>
    %broadcast_in_dim3A_19 = vector.shape_cast %reduce_sum3A_18 : vector<2048xf32> to vector<2048x1xf32>
    %convert_element_type3A_20 = arith.truncf %broadcast_in_dim3A_19 : vector<2048x1xf32> to vector<2048x1xbf16>
    %convert_element_type3A_21 = arith.extf %convert_element_type3A_20 : vector<2048x1xbf16> to vector<2048x1xf32>
    %sub3A_22 = arith.subf %broadcast_in_dim3A_19, %convert_element_type3A_21 : vector<2048x1xf32>
    %broadcast_in_dim3A_23 = arith.constant 1.000000e+00 : f32
    %broadcast_in_dim3A_24 = vector.broadcast %broadcast_in_dim3A_23 : f32 to vector<2048x1xf32>
    %concatenate3A_25 = tpu.concatenate %get3A_15, %broadcast_in_dim3A_24, %broadcast_in_dim3A_24, %convert_element_type3A_21, %sub3A_22 in 1 : vector<2048x3xf32>, vector<2048x1xf32>, vector<2048x1xf32>, vector<2048x1xf32>, vector<2048x1xf32> -> vector<2048x7xf32>
    %broadcast_in_dim3A_26 = arith.constant 0.000000e+00 : f32
    %broadcast_in_dim3A_27 = vector.broadcast %broadcast_in_dim3A_26 : f32 to vector<1x1xf32>
    %broadcast_in_dim3A_28 = arith.constant 0x7F80 : bf16
    %broadcast_in_dim3A_29 = vector.broadcast %broadcast_in_dim3A_28 : bf16 to vector<1x2048xbf16>
    %slice3A = vector.extract_strided_slice %concatenate3A_25 {offsets = [0, 0], sizes = [1024, 7], strides = [1, 1]} : vector<2048x7xf32> to vector<1024x7xf32>
    %dot_general3A = arith.constant dense<0.000000e+00> : vector<1024x2048xf32>
    %dot_general3A_30 = tpu.matmul %slice3A, %concatenate3A, %dot_general3A {dimension_numbers = #tpu.dot_dimension_numbers<[1], [0], [0], [1], [0, 0, 1, 1], [], []>, transpose_lhs_hint = false} : vector<1024x7xf32>, vector<7x2048xf32>, vector<1024x2048xf32> -> vector<1024x2048xf32>
    %convert_element_type3A_31 = arith.truncf %dot_general3A_30 : vector<1024x2048xf32> to vector<1024x2048xbf16>
    %reduce_min3A = arith.constant dense<0x7F80> : vector<1024xbf16>
    %reduce_min3A_32 = vector.multi_reduction <minimumf>, %convert_element_type3A_31, %reduce_min3A [1] : vector<1024x2048xbf16> to vector<1024xbf16>
    %broadcast_in_dim3A_33 = vector.shape_cast %reduce_min3A_32 : vector<1024xbf16> to vector<1024x1xbf16>
    %convert_element_type3A_34 = arith.extf %broadcast_in_dim3A_33 : vector<1024x1xbf16> to vector<1024x1xf32>
    %max3A = arith.constant 0.000000e+00 : f32
    %max3A_35 = vector.broadcast %max3A : f32 to vector<1024x1xf32>
    %max3A_36 = arith.maximumf %convert_element_type3A_34, %max3A_35 : vector<1024x1xf32>
    %reduce_sum3A_37 = vector.shape_cast %max3A_36 : vector<1024x1xf32> to vector<1x1024x1xf32>
    %reduce_sum3A_38 = arith.constant dense<0.000000e+00> : vector<1xf32>
    %reduce_sum3A_39 = vector.multi_reduction <add>, %reduce_sum3A_37, %reduce_sum3A_38 [1, 2] : vector<1x1024x1xf32> to vector<1xf32>
    %reduce_sum3A_40 = vector.shape_cast %reduce_sum3A_39 : vector<1xf32> to vector<1x1x1xf32>
    %reduce_sum3A_41 = vector.extract %reduce_sum3A_40[0, 0, 0] : f32 from vector<1x1x1xf32>
    %broadcast_in_dim3A_42 = vector.broadcast %reduce_sum3A_41 : f32 to vector<1x1xf32>
    %add3A = arith.addf %broadcast_in_dim3A_27, %broadcast_in_dim3A_42 : vector<1x1xf32>
    %reduce_min3A_43 = arith.constant dense<0x7F80> : vector<2048xbf16>
    %reduce_min3A_44 = vector.multi_reduction <minimumf>, %convert_element_type3A_31, %reduce_min3A_43 [0] : vector<1024x2048xbf16> to vector<2048xbf16>
    %broadcast_in_dim3A_45 = vector.shape_cast %reduce_min3A_44 : vector<2048xbf16> to vector<1x2048xbf16>
    %min3A = arith.minimumf %broadcast_in_dim3A_29, %broadcast_in_dim3A_45 : vector<1x2048xbf16>
    %slice3A_46 = vector.extract_strided_slice %concatenate3A_25 {offsets = [1024, 0], sizes = [1024, 7], strides = [1, 1]} : vector<2048x7xf32> to vector<1024x7xf32>
    %dot_general3A_47 = arith.constant dense<0.000000e+00> : vector<1024x2048xf32>
    %dot_general3A_48 = tpu.matmul %slice3A_46, %concatenate3A, %dot_general3A_47 {dimension_numbers = #tpu.dot_dimension_numbers<[1], [0], [0], [1], [0, 0, 1, 1], [], []>, transpose_lhs_hint = false} : vector<1024x7xf32>, vector<7x2048xf32>, vector<1024x2048xf32> -> vector<1024x2048xf32>
    %convert_element_type3A_49 = arith.truncf %dot_general3A_48 : vector<1024x2048xf32> to vector<1024x2048xbf16>
    %reduce_min3A_50 = arith.constant dense<0x7F80> : vector<1024xbf16>
    %reduce_min3A_51 = vector.multi_reduction <minimumf>, %convert_element_type3A_49, %reduce_min3A_50 [1] : vector<1024x2048xbf16> to vector<1024xbf16>
    %broadcast_in_dim3A_52 = vector.shape_cast %reduce_min3A_51 : vector<1024xbf16> to vector<1024x1xbf16>
    %convert_element_type3A_53 = arith.extf %broadcast_in_dim3A_52 : vector<1024x1xbf16> to vector<1024x1xf32>
    %max3A_54 = arith.constant 0.000000e+00 : f32
    %max3A_55 = vector.broadcast %max3A_54 : f32 to vector<1024x1xf32>
    %max3A_56 = arith.maximumf %convert_element_type3A_53, %max3A_55 : vector<1024x1xf32>
    %reduce_sum3A_57 = vector.shape_cast %max3A_56 : vector<1024x1xf32> to vector<1x1024x1xf32>
    %reduce_sum3A_58 = arith.constant dense<0.000000e+00> : vector<1xf32>
    %reduce_sum3A_59 = vector.multi_reduction <add>, %reduce_sum3A_57, %reduce_sum3A_58 [1, 2] : vector<1x1024x1xf32> to vector<1xf32>
    %reduce_sum3A_60 = vector.shape_cast %reduce_sum3A_59 : vector<1xf32> to vector<1x1x1xf32>
    %reduce_sum3A_61 = vector.extract %reduce_sum3A_60[0, 0, 0] : f32 from vector<1x1x1xf32>
    %broadcast_in_dim3A_62 = vector.broadcast %reduce_sum3A_61 : f32 to vector<1x1xf32>
    %add3A_63 = arith.addf %add3A, %broadcast_in_dim3A_62 : vector<1x1xf32>
    %reduce_min3A_64 = arith.constant dense<0x7F80> : vector<2048xbf16>
    %reduce_min3A_65 = vector.multi_reduction <minimumf>, %convert_element_type3A_49, %reduce_min3A_64 [0] : vector<1024x2048xbf16> to vector<2048xbf16>
    %broadcast_in_dim3A_66 = vector.shape_cast %reduce_min3A_65 : vector<2048xbf16> to vector<1x2048xbf16>
    %min3A_67 = arith.minimumf %min3A, %broadcast_in_dim3A_66 : vector<1x2048xbf16>
    %convert_element_type3A_68 = arith.extf %min3A_67 : vector<1x2048xbf16> to vector<1x2048xf32>
    %max3A_69 = arith.constant 0.000000e+00 : f32
    %max3A_70 = vector.broadcast %max3A_69 : f32 to vector<1x2048xf32>
    %max3A_71 = arith.maximumf %convert_element_type3A_68, %max3A_70 : vector<1x2048xf32>
    %div3A = arith.constant 2.048000e+03 : f32
    %div3A_72 = vector.broadcast %div3A : f32 to vector<1x1xf32>
    %div3A_73 = arith.divf %add3A_63, %div3A_72 : vector<1x1xf32>
    %reduce_sum3A_74 = vector.shape_cast %max3A_71 : vector<1x2048xf32> to vector<1x1x2048xf32>
    %reduce_sum3A_75 = arith.constant dense<0.000000e+00> : vector<1xf32>
    %reduce_sum3A_76 = vector.multi_reduction <add>, %reduce_sum3A_74, %reduce_sum3A_75 [1, 2] : vector<1x1x2048xf32> to vector<1xf32>
    %reduce_sum3A_77 = vector.shape_cast %reduce_sum3A_76 : vector<1xf32> to vector<1x1x1xf32>
    %reduce_sum3A_78 = vector.extract %reduce_sum3A_77[0, 0, 0] : f32 from vector<1x1x1xf32>
    %broadcast_in_dim3A_79 = vector.broadcast %reduce_sum3A_78 : f32 to vector<1x1xf32>
    %div3A_80 = arith.constant 2.048000e+03 : f32
    %div3A_81 = vector.broadcast %div3A_80 : f32 to vector<1x1xf32>
    %div3A_82 = arith.divf %broadcast_in_dim3A_79, %div3A_81 : vector<1x1xf32>
    %add3A_83 = arith.addf %div3A_73, %div3A_82 : vector<1x1xf32>
    %swap3A = arith.constant 0 : index
    %swap3A_84 = arith.constant 0 : index
    %swap3A_85 = arith.constant 0 : index
    %swap3A_86 = vector.load %arg3[%swap3A, %swap3A_84, %swap3A_85] : memref<4x1x1xf32, #tpu.memory_space<vmem>>, vector<1x1x1xf32>
    %swap3A_87 = vector.shape_cast %swap3A_86 : vector<1x1x1xf32> to vector<1x1xf32>
    %swap3A_88 = vector.shape_cast %add3A_83 : vector<1x1xf32> to vector<1x1x1xf32>
    tpu.vector_store %arg3[%swap3A, %swap3A_84, %swap3A_85], %swap3A_88 {strides = array<i32>} : memref<4x1x1xf32, #tpu.memory_space<vmem>>, vector<1x1x1xf32>,
    %get3A_89 = arith.constant 1 : index
    %get3A_90 = arith.constant 0 : index
    %get3A_91 = arith.constant 0 : index
    %get3A_92 = vector.load %arg2[%get3A_89, %get3A_90, %get3A_91] : memref<4x3x2048xf32, #tpu.memory_space<vmem>>, vector<1x3x2048xf32>
    %get3A_93 = vector.shape_cast %get3A_92 : vector<1x3x2048xf32> to vector<3x2048xf32>
    %mul3A_94 = arith.mulf %get3A_93, %get3A_93 : vector<3x2048xf32>
    %reduce_sum3A_95 = arith.constant dense<0.000000e+00> : vector<2048xf32>
    %reduce_sum3A_96 = vector.multi_reduction <add>, %mul3A_94, %reduce_sum3A_95 [0] : vector<3x2048xf32> to vector<2048xf32>
    %broadcast_in_dim3A_97 = vector.shape_cast %reduce_sum3A_96 : vector<2048xf32> to vector<1x2048xf32>
    %mul3A_98 = arith.constant 2.500000e-01 : f32
    %mul3A_99 = vector.broadcast %mul3A_98 : f32 to vector<1x2048xf32>
    %mul3A_100 = arith.mulf %mul3A_99, %broadcast_in_dim3A_97 : vector<1x2048xf32>
    %convert_element_type3A_101 = arith.truncf %mul3A_100 : vector<1x2048xf32> to vector<1x2048xbf16>
    %convert_element_type3A_102 = arith.extf %convert_element_type3A_101 : vector<1x2048xbf16> to vector<1x2048xf32>
    %sub3A_103 = arith.subf %mul3A_100, %convert_element_type3A_102 : vector<1x2048xf32>
    %broadcast_in_dim3A_104 = arith.constant 1.000000e+00 : f32
    %broadcast_in_dim3A_105 = vector.broadcast %broadcast_in_dim3A_104 : f32 to vector<1x2048xf32>
    %concatenate3A_106 = tpu.concatenate %get3A_93, %convert_element_type3A_102, %sub3A_103, %broadcast_in_dim3A_105, %broadcast_in_dim3A_105 in 0 : vector<3x2048xf32>, vector<1x2048xf32>, vector<1x2048xf32>, vector<1x2048xf32>, vector<1x2048xf32> -> vector<7x2048xf32>
    %get3A_107 = arith.constant 1 : index
    %get3A_108 = arith.constant 0 : index
    %get3A_109 = arith.constant 0 : index
    %get3A_110 = vector.load %arg1[%get3A_107, %get3A_108, %get3A_109] : memref<4x2048x3xf32, #tpu.memory_space<vmem>>, vector<1x2048x3xf32>
    %get3A_111 = vector.shape_cast %get3A_110 : vector<1x2048x3xf32> to vector<2048x3xf32>
    %mul3A_112 = arith.mulf %get3A_111, %get3A_111 : vector<2048x3xf32>
    %reduce_sum3A_113 = arith.constant dense<0.000000e+00> : vector<2048xf32>
    %reduce_sum3A_114 = vector.multi_reduction <add>, %mul3A_112, %reduce_sum3A_113 [1] : vector<2048x3xf32> to vector<2048xf32>
    %broadcast_in_dim3A_115 = vector.shape_cast %reduce_sum3A_114 : vector<2048xf32> to vector<2048x1xf32>
    %convert_element_type3A_116 = arith.truncf %broadcast_in_dim3A_115 : vector<2048x1xf32> to vector<2048x1xbf16>
    %convert_element_type3A_117 = arith.extf %convert_element_type3A_116 : vector<2048x1xbf16> to vector<2048x1xf32>
    %sub3A_118 = arith.subf %broadcast_in_dim3A_115, %convert_element_type3A_117 : vector<2048x1xf32>
    %broadcast_in_dim3A_119 = arith.constant 1.000000e+00 : f32
    %broadcast_in_dim3A_120 = vector.broadcast %broadcast_in_dim3A_119 : f32 to vector<2048x1xf32>
    %concatenate3A_121 = tpu.concatenate %get3A_111, %broadcast_in_dim3A_120, %broadcast_in_dim3A_120, %convert_element_type3A_117, %sub3A_118 in 1 : vector<2048x3xf32>, vector<2048x1xf32>, vector<2048x1xf32>, vector<2048x1xf32>, vector<2048x1xf32> -> vector<2048x7xf32>
    %broadcast_in_dim3A_122 = arith.constant 0.000000e+00 : f32
    %broadcast_in_dim3A_123 = vector.broadcast %broadcast_in_dim3A_122 : f32 to vector<1x1xf32>
    %broadcast_in_dim3A_124 = arith.constant 0x7F80 : bf16
    %broadcast_in_dim3A_125 = vector.broadcast %broadcast_in_dim3A_124 : bf16 to vector<1x2048xbf16>
    %slice3A_126 = vector.extract_strided_slice %concatenate3A_121 {offsets = [0, 0], sizes = [1024, 7], strides = [1, 1]} : vector<2048x7xf32> to vector<1024x7xf32>
    %dot_general3A_127 = arith.constant dense<0.000000e+00> : vector<1024x2048xf32>
    %dot_general3A_128 = tpu.matmul %slice3A_126, %concatenate3A_106, %dot_general3A_127 {dimension_numbers = #tpu.dot_dimension_numbers<[1], [0], [0], [1], [0, 0, 1, 1], [], []>, transpose_lhs_hint = false} : vector<1024x7xf32>, vector<7x2048xf32>, vector<1024x2048xf32> -> vector<1024x2048xf32>
    %convert_element_type3A_129 = arith.truncf %dot_general3A_128 : vector<1024x2048xf32> to vector<1024x2048xbf16>
    %reduce_min3A_130 = arith.constant dense<0x7F80> : vector<1024xbf16>
    %reduce_min3A_131 = vector.multi_reduction <minimumf>, %convert_element_type3A_129, %reduce_min3A_130 [1] : vector<1024x2048xbf16> to vector<1024xbf16>
    %broadcast_in_dim3A_132 = vector.shape_cast %reduce_min3A_131 : vector<1024xbf16> to vector<1024x1xbf16>
    %convert_element_type3A_133 = arith.extf %broadcast_in_dim3A_132 : vector<1024x1xbf16> to vector<1024x1xf32>
    %max3A_134 = arith.constant 0.000000e+00 : f32
    %max3A_135 = vector.broadcast %max3A_134 : f32 to vector<1024x1xf32>
    %max3A_136 = arith.maximumf %convert_element_type3A_133, %max3A_135 : vector<1024x1xf32>
    %reduce_sum3A_137 = vector.shape_cast %max3A_136 : vector<1024x1xf32> to vector<1x1024x1xf32>
    %reduce_sum3A_138 = arith.constant dense<0.000000e+00> : vector<1xf32>
    %reduce_sum3A_139 = vector.multi_reduction <add>, %reduce_sum3A_137, %reduce_sum3A_138 [1, 2] : vector<1x1024x1xf32> to vector<1xf32>
    %reduce_sum3A_140 = vector.shape_cast %reduce_sum3A_139 : vector<1xf32> to vector<1x1x1xf32>
    %reduce_sum3A_141 = vector.extract %reduce_sum3A_140[0, 0, 0] : f32 from vector<1x1x1xf32>
    %broadcast_in_dim3A_142 = vector.broadcast %reduce_sum3A_141 : f32 to vector<1x1xf32>
    %add3A_143 = arith.addf %broadcast_in_dim3A_123, %broadcast_in_dim3A_142 : vector<1x1xf32>
    %reduce_min3A_144 = arith.constant dense<0x7F80> : vector<2048xbf16>
    %reduce_min3A_145 = vector.multi_reduction <minimumf>, %convert_element_type3A_129, %reduce_min3A_144 [0] : vector<1024x2048xbf16> to vector<2048xbf16>
    %broadcast_in_dim3A_146 = vector.shape_cast %reduce_min3A_145 : vector<2048xbf16> to vector<1x2048xbf16>
    %min3A_147 = arith.minimumf %broadcast_in_dim3A_125, %broadcast_in_dim3A_146 : vector<1x2048xbf16>
    %slice3A_148 = vector.extract_strided_slice %concatenate3A_121 {offsets = [1024, 0], sizes = [1024, 7], strides = [1, 1]} : vector<2048x7xf32> to vector<1024x7xf32>
    %dot_general3A_149 = arith.constant dense<0.000000e+00> : vector<1024x2048xf32>
    %dot_general3A_150 = tpu.matmul %slice3A_148, %concatenate3A_106, %dot_general3A_149 {dimension_numbers = #tpu.dot_dimension_numbers<[1], [0], [0], [1], [0, 0, 1, 1], [], []>, transpose_lhs_hint = false} : vector<1024x7xf32>, vector<7x2048xf32>, vector<1024x2048xf32> -> vector<1024x2048xf32>
    %convert_element_type3A_151 = arith.truncf %dot_general3A_150 : vector<1024x2048xf32> to vector<1024x2048xbf16>
    %reduce_min3A_152 = arith.constant dense<0x7F80> : vector<1024xbf16>
    %reduce_min3A_153 = vector.multi_reduction <minimumf>, %convert_element_type3A_151, %reduce_min3A_152 [1] : vector<1024x2048xbf16> to vector<1024xbf16>
    %broadcast_in_dim3A_154 = vector.shape_cast %reduce_min3A_153 : vector<1024xbf16> to vector<1024x1xbf16>
    %convert_element_type3A_155 = arith.extf %broadcast_in_dim3A_154 : vector<1024x1xbf16> to vector<1024x1xf32>
    %max3A_156 = arith.constant 0.000000e+00 : f32
    %max3A_157 = vector.broadcast %max3A_156 : f32 to vector<1024x1xf32>
    %max3A_158 = arith.maximumf %convert_element_type3A_155, %max3A_157 : vector<1024x1xf32>
    %reduce_sum3A_159 = vector.shape_cast %max3A_158 : vector<1024x1xf32> to vector<1x1024x1xf32>
    %reduce_sum3A_160 = arith.constant dense<0.000000e+00> : vector<1xf32>
    %reduce_sum3A_161 = vector.multi_reduction <add>, %reduce_sum3A_159, %reduce_sum3A_160 [1, 2] : vector<1x1024x1xf32> to vector<1xf32>
    %reduce_sum3A_162 = vector.shape_cast %reduce_sum3A_161 : vector<1xf32> to vector<1x1x1xf32>
    %reduce_sum3A_163 = vector.extract %reduce_sum3A_162[0, 0, 0] : f32 from vector<1x1x1xf32>
    %broadcast_in_dim3A_164 = vector.broadcast %reduce_sum3A_163 : f32 to vector<1x1xf32>
    %add3A_165 = arith.addf %add3A_143, %broadcast_in_dim3A_164 : vector<1x1xf32>
    %reduce_min3A_166 = arith.constant dense<0x7F80> : vector<2048xbf16>
    %reduce_min3A_167 = vector.multi_reduction <minimumf>, %convert_element_type3A_151, %reduce_min3A_166 [0] : vector<1024x2048xbf16> to vector<2048xbf16>
    %broadcast_in_dim3A_168 = vector.shape_cast %reduce_min3A_167 : vector<2048xbf16> to vector<1x2048xbf16>
    %min3A_169 = arith.minimumf %min3A_147, %broadcast_in_dim3A_168 : vector<1x2048xbf16>
    %convert_element_type3A_170 = arith.extf %min3A_169 : vector<1x2048xbf16> to vector<1x2048xf32>
    %max3A_171 = arith.constant 0.000000e+00 : f32
    %max3A_172 = vector.broadcast %max3A_171 : f32 to vector<1x2048xf32>
    %max3A_173 = arith.maximumf %convert_element_type3A_170, %max3A_172 : vector<1x2048xf32>
    %div3A_174 = arith.constant 2.048000e+03 : f32
    %div3A_175 = vector.broadcast %div3A_174 : f32 to vector<1x1xf32>
    %div3A_176 = arith.divf %add3A_165, %div3A_175 : vector<1x1xf32>
    %reduce_sum3A_177 = vector.shape_cast %max3A_173 : vector<1x2048xf32> to vector<1x1x2048xf32>
    %reduce_sum3A_178 = arith.constant dense<0.000000e+00> : vector<1xf32>
    %reduce_sum3A_179 = vector.multi_reduction <add>, %reduce_sum3A_177, %reduce_sum3A_178 [1, 2] : vector<1x1x2048xf32> to vector<1xf32>
    %reduce_sum3A_180 = vector.shape_cast %reduce_sum3A_179 : vector<1xf32> to vector<1x1x1xf32>
    %reduce_sum3A_181 = vector.extract %reduce_sum3A_180[0, 0, 0] : f32 from vector<1x1x1xf32>
    %broadcast_in_dim3A_182 = vector.broadcast %reduce_sum3A_181 : f32 to vector<1x1xf32>
    %div3A_183 = arith.constant 2.048000e+03 : f32
    %div3A_184 = vector.broadcast %div3A_183 : f32 to vector<1x1xf32>
    %div3A_185 = arith.divf %broadcast_in_dim3A_182, %div3A_184 : vector<1x1xf32>
    %add3A_186 = arith.addf %div3A_176, %div3A_185 : vector<1x1xf32>
    %swap3A_187 = arith.constant 1 : index
    %swap3A_188 = arith.constant 0 : index
    %swap3A_189 = arith.constant 0 : index
    %swap3A_190 = vector.load %arg3[%swap3A_187, %swap3A_188, %swap3A_189] : memref<4x1x1xf32, #tpu.memory_space<vmem>>, vector<1x1x1xf32>
    %swap3A_191 = vector.shape_cast %swap3A_190 : vector<1x1x1xf32> to vector<1x1xf32>
    %swap3A_192 = vector.shape_cast %add3A_186 : vector<1x1xf32> to vector<1x1x1xf32>
    tpu.vector_store %arg3[%swap3A_187, %swap3A_188, %swap3A_189], %swap3A_192 {strides = array<i32>} : memref<4x1x1xf32, #tpu.memory_space<vmem>>, vector<1x1x1xf32>,
    %get3A_193 = arith.constant 2 : index
    %get3A_194 = arith.constant 0 : index
    %get3A_195 = arith.constant 0 : index
    %get3A_196 = vector.load %arg2[%get3A_193, %get3A_194, %get3A_195] : memref<4x3x2048xf32, #tpu.memory_space<vmem>>, vector<1x3x2048xf32>
    %get3A_197 = vector.shape_cast %get3A_196 : vector<1x3x2048xf32> to vector<3x2048xf32>
    %mul3A_198 = arith.mulf %get3A_197, %get3A_197 : vector<3x2048xf32>
    %reduce_sum3A_199 = arith.constant dense<0.000000e+00> : vector<2048xf32>
    %reduce_sum3A_200 = vector.multi_reduction <add>, %mul3A_198, %reduce_sum3A_199 [0] : vector<3x2048xf32> to vector<2048xf32>
    %broadcast_in_dim3A_201 = vector.shape_cast %reduce_sum3A_200 : vector<2048xf32> to vector<1x2048xf32>
    %mul3A_202 = arith.constant 2.500000e-01 : f32
    %mul3A_203 = vector.broadcast %mul3A_202 : f32 to vector<1x2048xf32>
    %mul3A_204 = arith.mulf %mul3A_203, %broadcast_in_dim3A_201 : vector<1x2048xf32>
    %convert_element_type3A_205 = arith.truncf %mul3A_204 : vector<1x2048xf32> to vector<1x2048xbf16>
    %convert_element_type3A_206 = arith.extf %convert_element_type3A_205 : vector<1x2048xbf16> to vector<1x2048xf32>
    %sub3A_207 = arith.subf %mul3A_204, %convert_element_type3A_206 : vector<1x2048xf32>
    %broadcast_in_dim3A_208 = arith.constant 1.000000e+00 : f32
    %broadcast_in_dim3A_209 = vector.broadcast %broadcast_in_dim3A_208 : f32 to vector<1x2048xf32>
    %concatenate3A_210 = tpu.concatenate %get3A_197, %convert_element_type3A_206, %sub3A_207, %broadcast_in_dim3A_209, %broadcast_in_dim3A_209 in 0 : vector<3x2048xf32>, vector<1x2048xf32>, vector<1x2048xf32>, vector<1x2048xf32>, vector<1x2048xf32> -> vector<7x2048xf32>
    %get3A_211 = arith.constant 2 : index
    %get3A_212 = arith.constant 0 : index
    %get3A_213 = arith.constant 0 : index
    %get3A_214 = vector.load %arg1[%get3A_211, %get3A_212, %get3A_213] : memref<4x2048x3xf32, #tpu.memory_space<vmem>>, vector<1x2048x3xf32>
    %get3A_215 = vector.shape_cast %get3A_214 : vector<1x2048x3xf32> to vector<2048x3xf32>
    %mul3A_216 = arith.mulf %get3A_215, %get3A_215 : vector<2048x3xf32>
    %reduce_sum3A_217 = arith.constant dense<0.000000e+00> : vector<2048xf32>
    %reduce_sum3A_218 = vector.multi_reduction <add>, %mul3A_216, %reduce_sum3A_217 [1] : vector<2048x3xf32> to vector<2048xf32>
    %broadcast_in_dim3A_219 = vector.shape_cast %reduce_sum3A_218 : vector<2048xf32> to vector<2048x1xf32>
    %convert_element_type3A_220 = arith.truncf %broadcast_in_dim3A_219 : vector<2048x1xf32> to vector<2048x1xbf16>
    %convert_element_type3A_221 = arith.extf %convert_element_type3A_220 : vector<2048x1xbf16> to vector<2048x1xf32>
    %sub3A_222 = arith.subf %broadcast_in_dim3A_219, %convert_element_type3A_221 : vector<2048x1xf32>
    %broadcast_in_dim3A_223 = arith.constant 1.000000e+00 : f32
    %broadcast_in_dim3A_224 = vector.broadcast %broadcast_in_dim3A_223 : f32 to vector<2048x1xf32>
    %concatenate3A_225 = tpu.concatenate %get3A_215, %broadcast_in_dim3A_224, %broadcast_in_dim3A_224, %convert_element_type3A_221, %sub3A_222 in 1 : vector<2048x3xf32>, vector<2048x1xf32>, vector<2048x1xf32>, vector<2048x1xf32>, vector<2048x1xf32> -> vector<2048x7xf32>
    %broadcast_in_dim3A_226 = arith.constant 0.000000e+00 : f32
    %broadcast_in_dim3A_227 = vector.broadcast %broadcast_in_dim3A_226 : f32 to vector<1x1xf32>
    %broadcast_in_dim3A_228 = arith.constant 0x7F80 : bf16
    %broadcast_in_dim3A_229 = vector.broadcast %broadcast_in_dim3A_228 : bf16 to vector<1x2048xbf16>
    %slice3A_230 = vector.extract_strided_slice %concatenate3A_225 {offsets = [0, 0], sizes = [1024, 7], strides = [1, 1]} : vector<2048x7xf32> to vector<1024x7xf32>
    %dot_general3A_231 = arith.constant dense<0.000000e+00> : vector<1024x2048xf32>
    %dot_general3A_232 = tpu.matmul %slice3A_230, %concatenate3A_210, %dot_general3A_231 {dimension_numbers = #tpu.dot_dimension_numbers<[1], [0], [0], [1], [0, 0, 1, 1], [], []>, transpose_lhs_hint = false} : vector<1024x7xf32>, vector<7x2048xf32>, vector<1024x2048xf32> -> vector<1024x2048xf32>
    %convert_element_type3A_233 = arith.truncf %dot_general3A_232 : vector<1024x2048xf32> to vector<1024x2048xbf16>
    %reduce_min3A_234 = arith.constant dense<0x7F80> : vector<1024xbf16>
    %reduce_min3A_235 = vector.multi_reduction <minimumf>, %convert_element_type3A_233, %reduce_min3A_234 [1] : vector<1024x2048xbf16> to vector<1024xbf16>
    %broadcast_in_dim3A_236 = vector.shape_cast %reduce_min3A_235 : vector<1024xbf16> to vector<1024x1xbf16>
    %convert_element_type3A_237 = arith.extf %broadcast_in_dim3A_236 : vector<1024x1xbf16> to vector<1024x1xf32>
    %max3A_238 = arith.constant 0.000000e+00 : f32
    %max3A_239 = vector.broadcast %max3A_238 : f32 to vector<1024x1xf32>
    %max3A_240 = arith.maximumf %convert_element_type3A_237, %max3A_239 : vector<1024x1xf32>
    %reduce_sum3A_241 = vector.shape_cast %max3A_240 : vector<1024x1xf32> to vector<1x1024x1xf32>
    %reduce_sum3A_242 = arith.constant dense<0.000000e+00> : vector<1xf32>
    %reduce_sum3A_243 = vector.multi_reduction <add>, %reduce_sum3A_241, %reduce_sum3A_242 [1, 2] : vector<1x1024x1xf32> to vector<1xf32>
    %reduce_sum3A_244 = vector.shape_cast %reduce_sum3A_243 : vector<1xf32> to vector<1x1x1xf32>
    %reduce_sum3A_245 = vector.extract %reduce_sum3A_244[0, 0, 0] : f32 from vector<1x1x1xf32>
    %broadcast_in_dim3A_246 = vector.broadcast %reduce_sum3A_245 : f32 to vector<1x1xf32>
    %add3A_247 = arith.addf %broadcast_in_dim3A_227, %broadcast_in_dim3A_246 : vector<1x1xf32>
    %reduce_min3A_248 = arith.constant dense<0x7F80> : vector<2048xbf16>
    %reduce_min3A_249 = vector.multi_reduction <minimumf>, %convert_element_type3A_233, %reduce_min3A_248 [0] : vector<1024x2048xbf16> to vector<2048xbf16>
    %broadcast_in_dim3A_250 = vector.shape_cast %reduce_min3A_249 : vector<2048xbf16> to vector<1x2048xbf16>
    %min3A_251 = arith.minimumf %broadcast_in_dim3A_229, %broadcast_in_dim3A_250 : vector<1x2048xbf16>
    %slice3A_252 = vector.extract_strided_slice %concatenate3A_225 {offsets = [1024, 0], sizes = [1024, 7], strides = [1, 1]} : vector<2048x7xf32> to vector<1024x7xf32>
    %dot_general3A_253 = arith.constant dense<0.000000e+00> : vector<1024x2048xf32>
    %dot_general3A_254 = tpu.matmul %slice3A_252, %concatenate3A_210, %dot_general3A_253 {dimension_numbers = #tpu.dot_dimension_numbers<[1], [0], [0], [1], [0, 0, 1, 1], [], []>, transpose_lhs_hint = false} : vector<1024x7xf32>, vector<7x2048xf32>, vector<1024x2048xf32> -> vector<1024x2048xf32>
    %convert_element_type3A_255 = arith.truncf %dot_general3A_254 : vector<1024x2048xf32> to vector<1024x2048xbf16>
    %reduce_min3A_256 = arith.constant dense<0x7F80> : vector<1024xbf16>
    %reduce_min3A_257 = vector.multi_reduction <minimumf>, %convert_element_type3A_255, %reduce_min3A_256 [1] : vector<1024x2048xbf16> to vector<1024xbf16>
    %broadcast_in_dim3A_258 = vector.shape_cast %reduce_min3A_257 : vector<1024xbf16> to vector<1024x1xbf16>
    %convert_element_type3A_259 = arith.extf %broadcast_in_dim3A_258 : vector<1024x1xbf16> to vector<1024x1xf32>
    %max3A_260 = arith.constant 0.000000e+00 : f32
    %max3A_261 = vector.broadcast %max3A_260 : f32 to vector<1024x1xf32>
    %max3A_262 = arith.maximumf %convert_element_type3A_259, %max3A_261 : vector<1024x1xf32>
    %reduce_sum3A_263 = vector.shape_cast %max3A_262 : vector<1024x1xf32> to vector<1x1024x1xf32>
    %reduce_sum3A_264 = arith.constant dense<0.000000e+00> : vector<1xf32>
    %reduce_sum3A_265 = vector.multi_reduction <add>, %reduce_sum3A_263, %reduce_sum3A_264 [1, 2] : vector<1x1024x1xf32> to vector<1xf32>
    %reduce_sum3A_266 = vector.shape_cast %reduce_sum3A_265 : vector<1xf32> to vector<1x1x1xf32>
    %reduce_sum3A_267 = vector.extract %reduce_sum3A_266[0, 0, 0] : f32 from vector<1x1x1xf32>
    %broadcast_in_dim3A_268 = vector.broadcast %reduce_sum3A_267 : f32 to vector<1x1xf32>
    %add3A_269 = arith.addf %add3A_247, %broadcast_in_dim3A_268 : vector<1x1xf32>
    %reduce_min3A_270 = arith.constant dense<0x7F80> : vector<2048xbf16>
    %reduce_min3A_271 = vector.multi_reduction <minimumf>, %convert_element_type3A_255, %reduce_min3A_270 [0] : vector<1024x2048xbf16> to vector<2048xbf16>
    %broadcast_in_dim3A_272 = vector.shape_cast %reduce_min3A_271 : vector<2048xbf16> to vector<1x2048xbf16>
    %min3A_273 = arith.minimumf %min3A_251, %broadcast_in_dim3A_272 : vector<1x2048xbf16>
    %convert_element_type3A_274 = arith.extf %min3A_273 : vector<1x2048xbf16> to vector<1x2048xf32>
    %max3A_275 = arith.constant 0.000000e+00 : f32
    %max3A_276 = vector.broadcast %max3A_275 : f32 to vector<1x2048xf32>
    %max3A_277 = arith.maximumf %convert_element_type3A_274, %max3A_276 : vector<1x2048xf32>
    %div3A_278 = arith.constant 2.048000e+03 : f32
    %div3A_279 = vector.broadcast %div3A_278 : f32 to vector<1x1xf32>
    %div3A_280 = arith.divf %add3A_269, %div3A_279 : vector<1x1xf32>
    %reduce_sum3A_281 = vector.shape_cast %max3A_277 : vector<1x2048xf32> to vector<1x1x2048xf32>
    %reduce_sum3A_282 = arith.constant dense<0.000000e+00> : vector<1xf32>
    %reduce_sum3A_283 = vector.multi_reduction <add>, %reduce_sum3A_281, %reduce_sum3A_282 [1, 2] : vector<1x1x2048xf32> to vector<1xf32>
    %reduce_sum3A_284 = vector.shape_cast %reduce_sum3A_283 : vector<1xf32> to vector<1x1x1xf32>
    %reduce_sum3A_285 = vector.extract %reduce_sum3A_284[0, 0, 0] : f32 from vector<1x1x1xf32>
    %broadcast_in_dim3A_286 = vector.broadcast %reduce_sum3A_285 : f32 to vector<1x1xf32>
    %div3A_287 = arith.constant 2.048000e+03 : f32
    %div3A_288 = vector.broadcast %div3A_287 : f32 to vector<1x1xf32>
    %div3A_289 = arith.divf %broadcast_in_dim3A_286, %div3A_288 : vector<1x1xf32>
    %add3A_290 = arith.addf %div3A_280, %div3A_289 : vector<1x1xf32>
    %swap3A_291 = arith.constant 2 : index
    %swap3A_292 = arith.constant 0 : index
    %swap3A_293 = arith.constant 0 : index
    %swap3A_294 = vector.load %arg3[%swap3A_291, %swap3A_292, %swap3A_293] : memref<4x1x1xf32, #tpu.memory_space<vmem>>, vector<1x1x1xf32>
    %swap3A_295 = vector.shape_cast %swap3A_294 : vector<1x1x1xf32> to vector<1x1xf32>
    %swap3A_296 = vector.shape_cast %add3A_290 : vector<1x1xf32> to vector<1x1x1xf32>
    tpu.vector_store %arg3[%swap3A_291, %swap3A_292, %swap3A_293], %swap3A_296 {strides = array<i32>} : memref<4x1x1xf32, #tpu.memory_space<vmem>>, vector<1x1x1xf32>,
    %get3A_297 = arith.constant 3 : index
    %get3A_298 = arith.constant 0 : index
    %get3A_299 = arith.constant 0 : index
    %get3A_300 = vector.load %arg2[%get3A_297, %get3A_298, %get3A_299] : memref<4x3x2048xf32, #tpu.memory_space<vmem>>, vector<1x3x2048xf32>
    %get3A_301 = vector.shape_cast %get3A_300 : vector<1x3x2048xf32> to vector<3x2048xf32>
    %mul3A_302 = arith.mulf %get3A_301, %get3A_301 : vector<3x2048xf32>
    %reduce_sum3A_303 = arith.constant dense<0.000000e+00> : vector<2048xf32>
    %reduce_sum3A_304 = vector.multi_reduction <add>, %mul3A_302, %reduce_sum3A_303 [0] : vector<3x2048xf32> to vector<2048xf32>
    %broadcast_in_dim3A_305 = vector.shape_cast %reduce_sum3A_304 : vector<2048xf32> to vector<1x2048xf32>
    %mul3A_306 = arith.constant 2.500000e-01 : f32
    %mul3A_307 = vector.broadcast %mul3A_306 : f32 to vector<1x2048xf32>
    %mul3A_308 = arith.mulf %mul3A_307, %broadcast_in_dim3A_305 : vector<1x2048xf32>
    %convert_element_type3A_309 = arith.truncf %mul3A_308 : vector<1x2048xf32> to vector<1x2048xbf16>
    %convert_element_type3A_310 = arith.extf %convert_element_type3A_309 : vector<1x2048xbf16> to vector<1x2048xf32>
    %sub3A_311 = arith.subf %mul3A_308, %convert_element_type3A_310 : vector<1x2048xf32>
    %broadcast_in_dim3A_312 = arith.constant 1.000000e+00 : f32
    %broadcast_in_dim3A_313 = vector.broadcast %broadcast_in_dim3A_312 : f32 to vector<1x2048xf32>
    %concatenate3A_314 = tpu.concatenate %get3A_301, %convert_element_type3A_310, %sub3A_311, %broadcast_in_dim3A_313, %broadcast_in_dim3A_313 in 0 : vector<3x2048xf32>, vector<1x2048xf32>, vector<1x2048xf32>, vector<1x2048xf32>, vector<1x2048xf32> -> vector<7x2048xf32>
    %get3A_315 = arith.constant 3 : index
    %get3A_316 = arith.constant 0 : index
    %get3A_317 = arith.constant 0 : index
    %get3A_318 = vector.load %arg1[%get3A_315, %get3A_316, %get3A_317] : memref<4x2048x3xf32, #tpu.memory_space<vmem>>, vector<1x2048x3xf32>
    %get3A_319 = vector.shape_cast %get3A_318 : vector<1x2048x3xf32> to vector<2048x3xf32>
    %mul3A_320 = arith.mulf %get3A_319, %get3A_319 : vector<2048x3xf32>
    %reduce_sum3A_321 = arith.constant dense<0.000000e+00> : vector<2048xf32>
    %reduce_sum3A_322 = vector.multi_reduction <add>, %mul3A_320, %reduce_sum3A_321 [1] : vector<2048x3xf32> to vector<2048xf32>
    %broadcast_in_dim3A_323 = vector.shape_cast %reduce_sum3A_322 : vector<2048xf32> to vector<2048x1xf32>
    %convert_element_type3A_324 = arith.truncf %broadcast_in_dim3A_323 : vector<2048x1xf32> to vector<2048x1xbf16>
    %convert_element_type3A_325 = arith.extf %convert_element_type3A_324 : vector<2048x1xbf16> to vector<2048x1xf32>
    %sub3A_326 = arith.subf %broadcast_in_dim3A_323, %convert_element_type3A_325 : vector<2048x1xf32>
    %broadcast_in_dim3A_327 = arith.constant 1.000000e+00 : f32
    %broadcast_in_dim3A_328 = vector.broadcast %broadcast_in_dim3A_327 : f32 to vector<2048x1xf32>
    %concatenate3A_329 = tpu.concatenate %get3A_319, %broadcast_in_dim3A_328, %broadcast_in_dim3A_328, %convert_element_type3A_325, %sub3A_326 in 1 : vector<2048x3xf32>, vector<2048x1xf32>, vector<2048x1xf32>, vector<2048x1xf32>, vector<2048x1xf32> -> vector<2048x7xf32>
    %broadcast_in_dim3A_330 = arith.constant 0.000000e+00 : f32
    %broadcast_in_dim3A_331 = vector.broadcast %broadcast_in_dim3A_330 : f32 to vector<1x1xf32>
    %broadcast_in_dim3A_332 = arith.constant 0x7F80 : bf16
    %broadcast_in_dim3A_333 = vector.broadcast %broadcast_in_dim3A_332 : bf16 to vector<1x2048xbf16>
    %slice3A_334 = vector.extract_strided_slice %concatenate3A_329 {offsets = [0, 0], sizes = [1024, 7], strides = [1, 1]} : vector<2048x7xf32> to vector<1024x7xf32>
    %dot_general3A_335 = arith.constant dense<0.000000e+00> : vector<1024x2048xf32>
    %dot_general3A_336 = tpu.matmul %slice3A_334, %concatenate3A_314, %dot_general3A_335 {dimension_numbers = #tpu.dot_dimension_numbers<[1], [0], [0], [1], [0, 0, 1, 1], [], []>, transpose_lhs_hint = false} : vector<1024x7xf32>, vector<7x2048xf32>, vector<1024x2048xf32> -> vector<1024x2048xf32>
    %convert_element_type3A_337 = arith.truncf %dot_general3A_336 : vector<1024x2048xf32> to vector<1024x2048xbf16>
    %reduce_min3A_338 = arith.constant dense<0x7F80> : vector<1024xbf16>
    %reduce_min3A_339 = vector.multi_reduction <minimumf>, %convert_element_type3A_337, %reduce_min3A_338 [1] : vector<1024x2048xbf16> to vector<1024xbf16>
    %broadcast_in_dim3A_340 = vector.shape_cast %reduce_min3A_339 : vector<1024xbf16> to vector<1024x1xbf16>
    %convert_element_type3A_341 = arith.extf %broadcast_in_dim3A_340 : vector<1024x1xbf16> to vector<1024x1xf32>
    %max3A_342 = arith.constant 0.000000e+00 : f32
    %max3A_343 = vector.broadcast %max3A_342 : f32 to vector<1024x1xf32>
    %max3A_344 = arith.maximumf %convert_element_type3A_341, %max3A_343 : vector<1024x1xf32>
    %reduce_sum3A_345 = vector.shape_cast %max3A_344 : vector<1024x1xf32> to vector<1x1024x1xf32>
    %reduce_sum3A_346 = arith.constant dense<0.000000e+00> : vector<1xf32>
    %reduce_sum3A_347 = vector.multi_reduction <add>, %reduce_sum3A_345, %reduce_sum3A_346 [1, 2] : vector<1x1024x1xf32> to vector<1xf32>
    %reduce_sum3A_348 = vector.shape_cast %reduce_sum3A_347 : vector<1xf32> to vector<1x1x1xf32>
    %reduce_sum3A_349 = vector.extract %reduce_sum3A_348[0, 0, 0] : f32 from vector<1x1x1xf32>
    %broadcast_in_dim3A_350 = vector.broadcast %reduce_sum3A_349 : f32 to vector<1x1xf32>
    %add3A_351 = arith.addf %broadcast_in_dim3A_331, %broadcast_in_dim3A_350 : vector<1x1xf32>
    %reduce_min3A_352 = arith.constant dense<0x7F80> : vector<2048xbf16>
    %reduce_min3A_353 = vector.multi_reduction <minimumf>, %convert_element_type3A_337, %reduce_min3A_352 [0] : vector<1024x2048xbf16> to vector<2048xbf16>
    %broadcast_in_dim3A_354 = vector.shape_cast %reduce_min3A_353 : vector<2048xbf16> to vector<1x2048xbf16>
    %min3A_355 = arith.minimumf %broadcast_in_dim3A_333, %broadcast_in_dim3A_354 : vector<1x2048xbf16>
    %slice3A_356 = vector.extract_strided_slice %concatenate3A_329 {offsets = [1024, 0], sizes = [1024, 7], strides = [1, 1]} : vector<2048x7xf32> to vector<1024x7xf32>
    %dot_general3A_357 = arith.constant dense<0.000000e+00> : vector<1024x2048xf32>
    %dot_general3A_358 = tpu.matmul %slice3A_356, %concatenate3A_314, %dot_general3A_357 {dimension_numbers = #tpu.dot_dimension_numbers<[1], [0], [0], [1], [0, 0, 1, 1], [], []>, transpose_lhs_hint = false} : vector<1024x7xf32>, vector<7x2048xf32>, vector<1024x2048xf32> -> vector<1024x2048xf32>
    %convert_element_type3A_359 = arith.truncf %dot_general3A_358 : vector<1024x2048xf32> to vector<1024x2048xbf16>
    %reduce_min3A_360 = arith.constant dense<0x7F80> : vector<1024xbf16>
    %reduce_min3A_361 = vector.multi_reduction <minimumf>, %convert_element_type3A_359, %reduce_min3A_360 [1] : vector<1024x2048xbf16> to vector<1024xbf16>
    %broadcast_in_dim3A_362 = vector.shape_cast %reduce_min3A_361 : vector<1024xbf16> to vector<1024x1xbf16>
    %convert_element_type3A_363 = arith.extf %broadcast_in_dim3A_362 : vector<1024x1xbf16> to vector<1024x1xf32>
    %max3A_364 = arith.constant 0.000000e+00 : f32
    %max3A_365 = vector.broadcast %max3A_364 : f32 to vector<1024x1xf32>
    %max3A_366 = arith.maximumf %convert_element_type3A_363, %max3A_365 : vector<1024x1xf32>
    %reduce_sum3A_367 = vector.shape_cast %max3A_366 : vector<1024x1xf32> to vector<1x1024x1xf32>
    %reduce_sum3A_368 = arith.constant dense<0.000000e+00> : vector<1xf32>
    %reduce_sum3A_369 = vector.multi_reduction <add>, %reduce_sum3A_367, %reduce_sum3A_368 [1, 2] : vector<1x1024x1xf32> to vector<1xf32>
    %reduce_sum3A_370 = vector.shape_cast %reduce_sum3A_369 : vector<1xf32> to vector<1x1x1xf32>
    %reduce_sum3A_371 = vector.extract %reduce_sum3A_370[0, 0, 0] : f32 from vector<1x1x1xf32>
    %broadcast_in_dim3A_372 = vector.broadcast %reduce_sum3A_371 : f32 to vector<1x1xf32>
    %add3A_373 = arith.addf %add3A_351, %broadcast_in_dim3A_372 : vector<1x1xf32>
    %reduce_min3A_374 = arith.constant dense<0x7F80> : vector<2048xbf16>
    %reduce_min3A_375 = vector.multi_reduction <minimumf>, %convert_element_type3A_359, %reduce_min3A_374 [0] : vector<1024x2048xbf16> to vector<2048xbf16>
    %broadcast_in_dim3A_376 = vector.shape_cast %reduce_min3A_375 : vector<2048xbf16> to vector<1x2048xbf16>
    %min3A_377 = arith.minimumf %min3A_355, %broadcast_in_dim3A_376 : vector<1x2048xbf16>
    %convert_element_type3A_378 = arith.extf %min3A_377 : vector<1x2048xbf16> to vector<1x2048xf32>
    %max3A_379 = arith.constant 0.000000e+00 : f32
    %max3A_380 = vector.broadcast %max3A_379 : f32 to vector<1x2048xf32>
    %max3A_381 = arith.maximumf %convert_element_type3A_378, %max3A_380 : vector<1x2048xf32>
    %div3A_382 = arith.constant 2.048000e+03 : f32
    %div3A_383 = vector.broadcast %div3A_382 : f32 to vector<1x1xf32>
    %div3A_384 = arith.divf %add3A_373, %div3A_383 : vector<1x1xf32>
    %reduce_sum3A_385 = vector.shape_cast %max3A_381 : vector<1x2048xf32> to vector<1x1x2048xf32>
    %reduce_sum3A_386 = arith.constant dense<0.000000e+00> : vector<1xf32>
    %reduce_sum3A_387 = vector.multi_reduction <add>, %reduce_sum3A_385, %reduce_sum3A_386 [1, 2] : vector<1x1x2048xf32> to vector<1xf32>
    %reduce_sum3A_388 = vector.shape_cast %reduce_sum3A_387 : vector<1xf32> to vector<1x1x1xf32>
    %reduce_sum3A_389 = vector.extract %reduce_sum3A_388[0, 0, 0] : f32 from vector<1x1x1xf32>
    %broadcast_in_dim3A_390 = vector.broadcast %reduce_sum3A_389 : f32 to vector<1x1xf32>
    %div3A_391 = arith.constant 2.048000e+03 : f32
    %div3A_392 = vector.broadcast %div3A_391 : f32 to vector<1x1xf32>
    %div3A_393 = arith.divf %broadcast_in_dim3A_390, %div3A_392 : vector<1x1xf32>
    %add3A_394 = arith.addf %div3A_384, %div3A_393 : vector<1x1xf32>
    %swap3A_395 = arith.constant 3 : index
    %swap3A_396 = arith.constant 0 : index
    %swap3A_397 = arith.constant 0 : index
    %swap3A_398 = vector.load %arg3[%swap3A_395, %swap3A_396, %swap3A_397] : memref<4x1x1xf32, #tpu.memory_space<vmem>>, vector<1x1x1xf32>
    %swap3A_399 = vector.shape_cast %swap3A_398 : vector<1x1x1xf32> to vector<1x1xf32>
    %swap3A_400 = vector.shape_cast %add3A_394 : vector<1x1xf32> to vector<1x1x1xf32>
    tpu.vector_store %arg3[%swap3A_395, %swap3A_396, %swap3A_397], %swap3A_400 {strides = array<i32>} : memref<4x1x1xf32, #tpu.memory_space<vmem>>, vector<1x1x1xf32>,
    return
  }
  func.func @transform_0(%arg0: i32) -> (i32, i32, i32) {
    %c0_i32 = arith.constant 0 : i32
    %c0_i32_0 = arith.constant 0 : i32
    %c0_i32_1 = arith.constant 0 : i32
    return %arg0, %c0_i32, %c0_i32_0 : i32, i32, i32
  }
  func.func @transform_1(%arg0: i32) -> (i32, i32, i32) {
    %c0_i32 = arith.constant 0 : i32
    %c0_i32_0 = arith.constant 0 : i32
    %c0_i32_1 = arith.constant 0 : i32
    return %arg0, %c0_i32, %c0_i32_0 : i32, i32, i32
  }
  func.func @transform_2(%arg0: i32) -> (i32, i32, i32) {
    %c0_i32 = arith.constant 0 : i32
    %c0_i32_0 = arith.constant 0 : i32
    %c0_i32_1 = arith.constant 0 : i32
    return %arg0, %c0_i32, %c0_i32_0 : i32, i32, i32
  }
}

</mosaic_0001>

<sc_bundles>
// kernel: kernel.4.cloned.1.call-start
scs
__scs_entry_jumppad:
0x0: {  	(pc) =	sbr.rel $0x88, $3  }
0x1: {  	(tag) =	ssettag $0x0;
	lr =	simm.s32 $0x1  }
0x2: {  	[smem:$0x3F9F] =	sst lr;
	_ =	strace $0xD0000000  }
0x3: {  	_ = 	snop  }
0x4: {  	_ = 	snop  }
0x5: {  	_ = 	snop  }
0x6: {  	_ = 	snop  }
0x7: {  	_ = 	snop  }
__scs_overlays_trampoline_lowered:
0x8: {  	[smem:$0x3FAE] =	sst s0  }
0x9: {  	[smem:$0x3FAF] =	sst s1  }
0xa: {  	[smem:$0x3FB0] =	sst s2  }
0xb: {  	[smem:$0x3FB1] =	sst s3  }
0xc: {  	[smem:$0x3FB2] =	sst s4  }
0xd: {  	[smem:$0x3FB3] =	sst s5  }
0xe: {  	[smem:$0x3FB4] =	sst s6  }
0xf: {  	[smem:$0x3FB5] =	sst s7  }
0x10: {  	[smem:$0x3FB6] =	sst s8  }
0x11: {  	[smem:$0x3FB7] =	sst s9;
	s0 =	simm.s32 @!p0 $0x0  }
0x12: {  	s1 =	sld [smem:$0x3F9D];
	s0 =	simm.s32 @p0 $0x1  }
0x13: {  	[smem:$0x3FB8] =	sst s0;
	s0 =	simm.s32 @!p1 $0x0  }
0x14: {  	s2 =	sld [smem:$0x3F9C];
	s0 =	simm.s32 @p1 $0x1  }
0x15: {  	[smem:$0x3FB9] =	sst s0;
	s0 =	simm.s32 @!p2 $0x0  }
0x16: {  	s3 =	sld [smem:$0x3FDB];
	s0 =	simm.s32 @p2 $0x1  }
0x17: {  	s4 =	simm.s32 $0x1BF5;
	[smem:$0x3FBB] =	sst s0  }
0x18: {  	s0 =	sld [smem:$0x3F9E];
	_ =	swait.ge [sflag:s4], $0x0  }
0x19: {  	s7 =	sld [smem:$0x3F9F]  }
0x1a: {  	s8 =	sadd.s32 $0xFFFFE003, lr  }
0x1b: {  	s9 =	sadd.s32 $0xFFFFFEF7, lr;
	s5 =	simm.s32 $0xFFFFFFFF;
	p2 =	slt.u32 s8, $0xFFFFF086  }
0x1c: {  	p1 =	slt.u32 s9, $0xF7A;
	s5 =	simm.s32 @!p2 $0x0  }
0x1d: {  	s5 =	simm.s32 @p1 $0x1;
	p0 =	seq.s32 s7, s2  }
0x1e: {  	s7 =	smul.u32 @!p0 $0xF7A, s2;
	p2 =	seq.s32 @!p0 s5, $0x0  }
0x1f: {  	s9 =	smul.u32 $0xF7A, s1;
	s8 =	simm.s32 @!p0 $0x1BF5;
	p2 =	por !p2, p0  }
0x20: {  	[sflag:s8] =	ssyncset.s32 @!p0 $0xFFFFF086;
	s6 =	sadd.s32 @!p0 s3, s7;
	s7 =	simm.s32 @!p0 $0x108  }
0x21: {  	s3 =	sadd.s32 s3, s9;
	s6 =	sadd.s32 @!p0 $0x88, s6;
	s7 =	simm.s32 @p2 $0x1082  }
0x22: {  	[simem:s7], [sflag:s8] =	dma.local @!p0 [hbm:s6], $0xF7A  }
0x23: {  	s9 =	sor.u32 $0xD0000000, s2;
	s6 =	simm.s32 $0x108;
	_ =	swait.ge @!p0 [sflag:s8], $0x0  }
0x24: {  	s3 =	sadd.s32 $0x88, s3;
	s6 =	simm.s32 @!p1 $0x1082;
	[sflag:s4] =	ssyncset.s32 $0xFFFFF086  }
0x25: {  	[simem:s6], [sflag:s4] =	dma.local [hbm:s3], $0xF7A  }
0x26: {  	[smem:$0x3F9F] =	sst s1;
	(tag) =	ssettag s2;
	_ =	strace s9  }
0x27: {  	s1 =	sld [smem:$0x3FAF]  }
0x28: {  	s2 =	sld [smem:$0x3FB0]  }
0x29: {  	s4 =	sld [smem:$0x3FB2]  }
0x2a: {  	p0 =	seq.s32 s5, $0x0;
	s5 =	sld [smem:$0x3FB3]  }
0x2b: {  	s6 =	sld [smem:$0x3FB4]  }
0x2c: {  	s7 =	sld [smem:$0x3FB5]  }
0x2d: {  	s3 =	simm.s32 $0x108;
	s8 =	sld [smem:$0x3FB6]  }
0x2e: {  	s3 =	simm.s32 @!p0 $0x1082;
	s9 =	sld [smem:$0x3FB7]  }
0x2f: {  	lr =	sadd.s32 s0, s3;
	s0 =	sld [smem:$0x3FAE]  }
0x30: {  	s3 =	sld [smem:$0x3FB1]  }
0x31: {  	[smem:$0x3FBA] =	sst s10  }
0x32: {  	s10 =	sld [smem:$0x3FB8];
	_ =	sdelay $0x3  }
0x33: {  	p0 =	seq.s32 s10, $0x1;
	s10 =	sld [smem:$0x3FBA];
	_ =	sdelay $0x3  }
0x34: {  	[smem:$0x3FBA] =	sst s10  }
0x35: {  	s10 =	sld [smem:$0x3FB9];
	_ =	sdelay $0x3  }
0x36: {  	p1 =	seq.s32 s10, $0x1;
	s10 =	sld [smem:$0x3FBA];
	_ =	sdelay $0x3  }
0x37: {  	[smem:$0x3FBA] =	sst s10  }
0x38: {  	s10 =	sld [smem:$0x3FBB]  }
0x39: {  	_ = 	snop;
	(pc) =	sbr.ind lr, $3  }
0x3a: {  	_ = 	snop  }
0x3b: {  	_ = 	snop  }
0x3c: {  	p2 =	seq.s32 s10, $0x1;
	s10 =	sld [smem:$0x3FBA]  }
0x3d: {  	_ =	shalt  }
0x3e: {  	_ =	shalt  }
0x3f: {  	_ =	shalt  }
0x40: {  	_ =	shalt  }
0x41: {  	_ =	shalt  }
0x42: {  	_ =	shalt  }
0x43: {  	_ =	shalt  }
0x44: {  	_ =	shalt  }
0x45: {  	_ =	shalt  }
0x46: {  	_ =	shalt  }
0x47: {  	_ =	shalt  }
0x48: {  	_ =	shalt  }
0x49: {  	_ =	shalt  }
0x4a: {  	_ =	shalt  }
0x4b: {  	_ =	shalt  }
0x4c: {  	_ =	shalt  }
0x4d: {  	_ =	shalt  }
0x4e: {  	_ =	shalt  }
0x4f: {  	_ =	shalt  }
0x50: {  	_ =	shalt  }
0x51: {  	_ =	shalt  }
0x52: {  	_ =	shalt  }
0x53: {  	_ =	shalt  }
0x54: {  	_ =	shalt  }
0x55: {  	_ =	shalt  }
0x56: {  	_ =	shalt  }
0x57: {  	_ =	shalt  }
0x58: {  	_ =	shalt  }
0x59: {  	_ =	shalt  }
0x5a: {  	_ =	shalt  }
0x5b: {  	_ =	shalt  }
0x5c: {  	_ =	shalt  }
0x5d: {  	_ =	shalt  }
0x5e: {  	_ =	shalt  }
0x5f: {  	_ =	shalt  }
0x60: {  	_ =	shalt  }
0x61: {  	_ =	shalt  }
0x62: {  	_ =	shalt  }
0x63: {  	_ =	shalt  }
0x64: {  	_ =	shalt  }
0x65: {  	_ =	shalt  }
0x66: {  	_ =	shalt  }
0x67: {  	_ =	shalt  }
0x68: {  	_ =	shalt  }
0x69: {  	_ =	shalt  }
0x6a: {  	_ =	shalt  }
0x6b: {  	_ =	shalt  }
0x6c: {  	_ =	shalt  }
0x6d: {  	_ =	shalt  }
0x6e: {  	_ =	shalt  }
0x6f: {  	_ =	shalt  }
0x70: {  	_ =	shalt  }
0x71: {  	_ =	shalt  }
0x72: {  	_ =	shalt  }
0x73: {  	_ =	shalt  }
0x74: {  	_ =	shalt  }
0x75: {  	_ =	shalt  }
0x76: {  	_ =	shalt  }
0x77: {  	_ =	shalt  }
0x78: {  	_ =	shalt  }
0x79: {  	_ =	shalt  }
0x7a: {  	_ =	shalt  }
0x7b: {  	_ =	shalt  }
0x7c: {  	_ =	shalt  }
0x7d: {  	_ =	shalt  }
0x7e: {  	_ =	shalt  }
0x7f: {  	_ =	shalt  }
0x80: {  	_ =	shalt  }
0x81: {  	_ =	shalt  }
0x82: {  	_ =	shalt  }
0x83: {  	_ =	shalt  }
0x84: {  	_ =	shalt  }
0x85: {  	_ =	shalt  }
0x86: {  	_ =	shalt  }
0x87: {  	_ =	shalt  }
.Lfunc_end0:
.L_simem_size_0:
called_computation_lowered:
.L_overlay_start_0:
0x88: {  	s2 =	sld [smem:$0x3FD9]  }
0x89: {  	s3 =	sld [smem:$0x3FFE];
	_ =	sdelay $0x1  }
0x8a: {  	s1 =	srdreg.scid  }
0x8b: {  	s0 =	sand.u32 $0x1, s1  }
0x8c: {  	s16 =	sshll.u32 s0, $0xA;
	s2 =	sadd.s32 s3, s2  }
0x8d: {  	s2 =	sadd.s32 s2, s16  }
0x8e: {  	[smem:$0x3FC6] =	sst s2  }
0x8f: {  	_ = 	snop  }
0x90: {  	(tm) =	ssettm $0x1  }
0x91: {  	s17 =	sld [smem:$0x3FFB];
	_ =	sdelay $0x3  }
0x92: {  	_ =	strace s17  }
0x93: {  	s2 =	sld [smem:$0x3FFC];
	_ =	sdelay $0x3  }
0x94: {  	_ =	strace s2  }
0x95: {  	s2 =	sld [smem:$0x3FFD];
	_ =	sdelay $0x3  }
0x96: {  	_ =	strace s2  }
0x97: {  	_ =	strace $0x8FFFFFFF  }
0x98: {  	s18 =	sld [smem:$0x3FDB];
	_ =	sdelay $0x1  }
0x99: {  	s19 =	simm.s32 $_scs_section_size  }
0x9a: {  	s4 =	simm.s32 $_size__tile_overlayer_lowered;
	s5 =	simm.s32 $_tile_overlayer_lowered  }
0x9b: {  	s22 =	simm.s32 $0x1BFF;
	s21 =	sshll.u32 s5, $0x1;
	s2 =	sadd.s32 s19, s18  }
0x9c: {  	s6 =	simm.s32 $0x0;
	s20 =	sshll.u32 s4, $0x1;
	s4 =	sadd.s32 s21, s2  }
0x9d: {  	[timem:s6], [sflag:s22] =	dma.local [hbm:s4], s20  }
0x9e: {  	_ =	swait.ge [sflag:s22], s20  }
0x9f: {  	s3 =	ssub.s32 $0x0, s20;
	[sflag:s22] =	ssyncset.done $0x0  }
0xa0: {  	[sflag:s22] =	ssyncadd.s32 s3;
	_ =	sdelay $0x1  }
0xa1: {  	s23 =	simm.s32 $0x1B8B  }
0xa2: {  	_ =	swait.ge [sflag:s23], $0x1  }
0xa3: {  	[sflag:s23] =	ssyncset.done $0x0  }
0xa4: {  	s25 =	simm.s32 $0x1B8E;
	s24 =	sld [smem:$0x3FFE];
	[sflag:s23] =	ssyncadd.s32 $0xFFFFFFFF  }
0xa5: {  	s26 =	simm.s32 $execute0_lowered;
	[smem:$0x3FD2] =	sst s25  }
0xa6: {  	s4 =	sshll.u32 s26, $0x1;
	_ =	strace $0x80000046;
	[dreg:$0x1] =	wrdreg $0xFFFFFFFF  }
0xa7: {  	s28 =	simm.s32 $_size_execute0_lowered;
	s2 =	sadd.s32 s2, s4;
	[dreg:$0x0] =	wrdreg $0x0  }
0xa8: {  	s4 =	sshll.u32 s28, $0x1;
	[dreg:$0x2] =	wrdreg s2  }
0xa9: {  	[dreg:$0x3] =	wrdreg s4  }
0xaa: {  	[dreg:$0x4] =	wrdreg $0xC0  }
0xab: {  	_ =	task [dreg:s6], $0x5FFFF  }
0xac: {  	[dreg:$0x1] =	wrdreg $0xFFFFFFFF  }
0xad: {  	[dreg:$0x0] =	wrdreg $0x60  }
0xae: {  	[dreg:$0x2] =	wrdreg s24  }
0xaf: {  	[dreg:$0x3] =	wrdreg $0x9  }
0xb0: {  	_ =	task.clear_ibuf [dreg:s6], $0x4FFFF;
	_ =	strace $0x90000046  }
0xb1: {  	s29 =	simm.s32 $0x9;
	_ =	strace $0x80000048  }
0xb2: {  	_ =	swait.ge [sflag:s29], $0x1  }
0xb3: {  	[sflag:s29] =	ssyncadd.s32 $0xFFFFFFFF  }
0xb4: {  	_ =	strace $0x90000048  }
0xb5: {  	_ =	sfence  }
0xb6: {  	s30 =	sld [smem:$0x0];
	_ =	sdelay $0x2  }
0xb7: {  	s31 =	sshll.u32 s1, $0xD;
	s1 =	sshrl.u32 s1, $0x2  }
0xb8: {  	s3 =	sand.u32 $0x4000, s31;
	s1 =	sadd.s32 s1, s30  }
0xb9: {  	s0 =	sor.u32 s3, s0;
	s1 =	sshll.u32 s1, $0x11  }
0xba: {  	s0 =	sor.u32 s1, s0  }
0xbb: {  	s0 =	sadd.s32 $0x8F2B, s0  }
0xbc: {  	[sflag:s0] =	ssyncadd.remote.s32 $0x1  }
0xbd: {  	_ =	sfence.sel $0xFFFF  }
0xbe: {  	[dreg:$0x0] =	wrdreg $0xFFFFFFFF;
	(pc) =	sbr.abs _section_cstart, $3  }
0xbf: {  	[dreg:$0x1] =	wrdreg $0xFFFFFFFF  }
0xc0: {  	_ =	task.clear_ibuf [dreg:s6], $0x2FFFF;
	_ =	strace $0x9FFFFFFF  }
0xc1: {  	(tm) =	ssettm $0x7FFFFFFF  }
tec
execute0_lowered:
.L_overlay_start_1:
0x0: {  	(tag) =	ssettag $0x1  }
0x1: {  	s0 =	stileid.u32  }
0x2: {  	s1 =	srdreg.scid;
	s4 =	rddreg [dreg:$0x0];
	s11 =	simm.s32 $0x2C00  }
0x3: {  	s12 =	simm.s32 $0x2400;
	s13 =	simm.s32 $0x0;
	s2 =	sshll.u32 s0, $0x1  }
0x4: {  	s3 =	sand.u32 $0x1, s1;
	s1 =	rddreg [dreg:$0x1];
	s5 =	sshrl.u32 s0, $0x2  }
0x5: {  	s2 =	sand.u32 $0x6, s2;
	s7 =	sshll.u32 s5, $0xF;
	s8 =	sshll.u32 s5, $0xE  }
0x6: {  	s5 =	sshll.u32 s5, $0xA;
	s9 =	ssub.s32 $0x2, s3;
	s6 =	sor.u32 s3, s2  }
0x7: {  	s2 =	simm.s32 $0x0;
	s3 =	sadd.s32 s4, s5;
	s6 =	sshll.u32 s6, $0x7  }
0x8: {  	s31 =	sshrl.u32 s9, $0x1;
	[smem:$0x7FF] =	sst s2;
	s7 =	sor.u32 s7, s6  }
0x9: {  	_ =	strace $0x80000047;
	s8 =	sor.u32 s8, s6;
	s6 =	sadd.s32 s6, s3  }
0xa: {  	s7 =	sshrl.u32 s7, $0x3;
	s30 =	sshrl.u32 s8, $0x3;
	s8 =	ssub.s32 s9, s31  }
0xb: {  	s9 =	simm.s32 $0x400;
	s7 =	sadd.s32 s7, s4;
	s10 =	sadd.s32 s30, s4  }
0xc: {  	s4 =	sadd.s32 $0x1000, s6;
	s5 =	sadd.s32 $0x4000, s7;
	s6 =	sadd.s32 $0x2000, s10  }
0xd: {  	v0 =	vimm.f32 $+Inf;
	s7 =	smax.u32 s8, $0x1;
	s8 =	simm.s32 $0x1;
	s10 =	simm.s32 $0x80  }
.LBB2_1:
0xe: {  	[tilespmem:s2], [sflag:$0x1] =	stream.linear.gather [hbm4b:s4+s2], $0x400, $0x38;
	[tilespmem:$0x3C00] =	vst v63  }
0xf: {  	_ =	swait.ge [sflag:s8], $0x400  }
0x10: {  	[sflag:s8] =	ssyncset.done $0x0  }
0x11: {  	[sflag:s8] =	ssyncadd.s32 $0xFFFFFC00  }
0x12: {  	[tilespmem:s9], [sflag:$0x1] =	stream.linear.gather [hbm4b:s3+s2], $0x2000, $0x38;
	[tilespmem:$0x3C00] =	vst v63  }
0x13: {  	_ =	swait.ge [sflag:s8], $0x2000  }
0x14: {  	[sflag:s8] =	ssyncset.done $0x0  }
0x15: {  	s14 =	simm.s32 $0x40;
	s15 =	simm.s32 $0x0;
	[sflag:s8] =	ssyncadd.s32 $0xFFFFE000  }
.LBB2_2:
0x16: {  	p0 =	sne.s32 s14, $0x1FC0;
	[tilespmem:s15+$0x2400] =	vst v0;
	s15 =	smov.u32 s14;
	s14 =	sadd.s32 $0x40, s14  }
.Ltmp0:
0x17: {  	(pc) =	sbr.rel @p0 .LBB2_2-.Ltmp0, $2  }
0x18: {  	_ =	sdelay $0x2  }
0x19: {  	s15 =	sshra.s32 s15, $0x2  }
0x1a: {  	[tilespmem:s15+$0x2400] =	vst v0;
	s14 =	simm.s32 $0x0;
	s15 =	simm.s32 $0x0  }
.LBB2_4:
0x1b: {  	s16 =	sshll.u32 s15, $0x4;
	s17 =	sshll.u32 s15, $0x6  }
0x1c: {  	s16 =	sand.u32 $0x70, s16;
	s17 =	sand.u32 $0x200, s17  }
0x1d: {  	s16 =	sor.u32 s16, s17  }
0x1e: {  	v2 =	vld [tilespmem:s16+$0x0]  }
0x1f: {  	v1 =	vld [tilespmem:s16+$0x80]  }
0x20: {  	v3 =	vld [tilespmem:s16+$0x100];
	_ =	sdelay $0x3  }
0x21: {  	v17 =	vbroadcast v2, $0x0  }
0x22: {  	v12 =	vbroadcast v1, $0x0;
	v22 =	vbroadcast v3, $0x0  }
0x23: {  	v18 =	vbroadcast v2, $0x1;
	v13 =	vbroadcast v1, $0x1  }
0x24: {  	v23 =	vbroadcast v3, $0x1;
	v20 =	vbroadcast v2, $0x2  }
0x25: {  	s30 =	sand.u32 $0x70, s14;
	s31 =	sand.u32 $0x1E00, s14;
	v14 =	vbroadcast v1, $0x2;
	v25 =	vbroadcast v3, $0x2  }
0x26: {  	s18 =	sor.u32 s30, s31;
	v21 =	vbroadcast v2, $0x3;
	v16 =	vbroadcast v1, $0x3  }
0x27: {  	v4 =	vld [tilespmem:s18+$0x500];
	v29 =	vbroadcast v3, $0x3;
	v26 =	vbroadcast v2, $0x4  }
0x28: {  	v15 =	vbroadcast v1, $0x4;
	v31 =	vbroadcast v3, $0x4  }
0x29: {  	v28 =	vbroadcast v2, $0x5;
	v19 =	vbroadcast v1, $0x5  }
0x2a: {  	v34 =	vbroadcast v3, $0x5;
	v36 =	vbroadcast v3, $0x7  }
0x2b: {  	v5 =	vimm.f32 $+Inf;
	v32 =	vbroadcast v2, $0x6;
	v37 =	vbroadcast v3, $0x6  }
0x2c: {  	v24 =	vbroadcast v1, $0x6;
	v6 =	vsub.f32 v4, v36;
	v7 =	vsub.f32 v4, v34  }
0x2d: {  	v35 =	vbroadcast v2, $0x7;
	v8 =	vsub.f32 v4, v37;
	v9 =	vsub.f32 v4, v29  }
0x2e: {  	v27 =	vbroadcast v1, $0x7;
	v10 =	vsub.f32 v4, v31;
	v11 =	vsub.f32 v4, v25  }
0x2f: {  	v42 =	vld [tilespmem:s18+$0x400];
	v43 =	vsub.f32 v4, v22;
	v33 =	vmul.f32 v8, v8;
	v30 =	vmul.f32 v6, v6  }
0x30: {  	v44 =	vsub.f32 v4, v23;
	v39 =	vmul.f32 v10, v10;
	v38 =	vmul.f32 v7, v7  }
0x31: {  	v4 =	vimm.f32 $+Inf;
	v41 =	vmul.f32 v11, v11;
	v40 =	vmul.f32 v9, v9  }
0x32: {  	v11 =	vimm.f32 $+Inf;
	v10 =	vimm.f32 $+Inf;
	v9 =	vimm.f32 $+Inf  }
0x33: {  	s17 =	simm.s32 $0x10;
	s16 =	simm.s32 $0x0;
	v7 =	vimm.f32 $+Inf;
	v8 =	vimm.f32 $+Inf;
	v6 =	vimm.f32 $+Inf  }
.LBB2_5:
0x34: {  	p0 =	sne.s32 s17, $0x7F0;
	v45 =	vld [tilespmem:s18+$0x480];
	v43 =	vmul.f32 v43, v43;
	v46 =	vsub.f32 v42, v32;
	v47 =	vsub.f32 v42, v35  }
0x35: {  	v48 =	vsub.f32 v42, v26;
	v49 =	vsub.f32 v42, v28;
	v44 =	vmul.f32 v44, v44  }
0x36: {  	v50 =	vsub.f32 v42, v20;
	v51 =	vsub.f32 v42, v21;
	v47 =	vmul.f32 v47, v47  }
0x37: {  	v52 =	vsub.f32 v42, v17;
	v49 =	vmul.f32 v49, v49;
	v46 =	vmul.f32 v46, v46  }
0x38: {  	v42 =	vsub.f32 v42, v18;
	v51 =	vmul.f32 v51, v51;
	v48 =	vmul.f32 v48, v48  }
0x39: {  	v50 =	vmul.f32 v50, v50;
	v53 =	vsub.f32 v45, v24;
	v54 =	vsub.f32 v45, v27  }
0x3a: {  	v52 =	vmul.f32 v52, v52;
	v55 =	vsub.f32 v45, v12;
	v56 =	vsub.f32 v45, v13  }
0x3b: {  	v42 =	vmul.f32 v42, v42;
	v57 =	vsub.f32 v45, v14;
	v58 =	vsub.f32 v45, v16  }
0x3c: {  	v59 =	vsub.f32 v45, v19;
	v55 =	vmul.f32 v55, v55;
	v56 =	vmul.f32 v56, v56  }
0x3d: {  	v45 =	vsub.f32 v45, v15;
	v57 =	vmul.f32 v57, v57;
	v58 =	vmul.f32 v58, v58  }
0x3e: {  	v54 =	vmul.f32 v54, v54;
	v52 =	vadd.f32 v55, v52;
	v42 =	vadd.f32 v56, v42  }
0x3f: {  	v45 =	vmul.f32 v45, v45;
	v50 =	vadd.f32 v57, v50;
	v51 =	vadd.f32 v58, v51  }
0x40: {  	v43 =	vadd.f32 v43, v52;
	v42 =	vadd.f32 v44, v42;
	v44 =	vmul.f32 v59, v59  }
0x41: {  	v45 =	vadd.f32 v45, v48;
	v48 =	vmul.f32 v53, v53;
	v41 =	vadd.f32 v41, v50  }
0x42: {  	v40 =	vadd.f32 v40, v51;
	v44 =	vadd.f32 v44, v49;
	v49 =	vmin.f32 v43, v42  }
0x43: {  	s19 =	sshra.s32 s16, $0x2;
	v39 =	vadd.f32 v39, v45;
	v45 =	vadd.f32 v48, v46;
	v46 =	vmin.f32 v49, v41  }
0x44: {  	v38 =	vadd.f32 v38, v44;
	v44 =	vadd.f32 v54, v47;
	v46 =	vmin.f32 v46, v40;
	v47 =	vld [tilespmem:s19+$0x2400]  }
0x45: {  	v5 =	vmin.f32 v5, v43;
	v33 =	vadd.f32 v33, v45;
	v43 =	vmin.f32 v46, v39  }
0x46: {  	v11 =	vmin.f32 v11, v42;
	v30 =	vadd.f32 v30, v44;
	v42 =	vmin.f32 v43, v38  }
0x47: {  	v10 =	vmin.f32 v10, v41;
	v9 =	vmin.f32 v9, v40;
	v40 =	vmin.f32 v42, v33  }
0x48: {  	s16 =	sadd.s32 $0x40, s16;
	v7 =	vmin.f32 v7, v39;
	v8 =	vmin.f32 v8, v38;
	v38 =	vmin.f32 v40, v30  }
0x49: {  	s18 =	sand.u32 $0x70, s17;
	s20 =	sand.u32 $0x1E00, s16;
	v6 =	vmin.f32 v6, v33;
	v4 =	vmin.f32 v4, v30;
	v30 =	vmin.f32 v47, v38  }
0x4a: {  	s18 =	sor.u32 s18, s20;
	[tilespmem:s19+$0x2400] =	vst v30  }
0x4b: {  	v40 =	vld [tilespmem:s18+$0x500];
	_ =	sdelay $0x4  }
0x4c: {  	v30 =	vsub.f32 v40, v36  }
.Ltmp1:
0x4d: {  	v38 =	vsub.f32 v40, v34;
	v33 =	vsub.f32 v40, v37;
	v42 =	vld [tilespmem:s18+$0x400];
	(pc) =	sbr.rel @p0 .LBB2_5-.Ltmp1, $4  }
0x4e: {  	v45 =	vsub.f32 v40, v29;
	v39 =	vsub.f32 v40, v31  }
0x4f: {  	v41 =	vsub.f32 v40, v25;
	v33 =	vmul.f32 v33, v33;
	v30 =	vmul.f32 v30, v30  }
0x50: {  	v43 =	vsub.f32 v40, v22;
	v39 =	vmul.f32 v39, v39;
	v38 =	vmul.f32 v38, v38  }
0x51: {  	s17 =	sadd.s32 $0x10, s17;
	v44 =	vsub.f32 v40, v23;
	v41 =	vmul.f32 v41, v41;
	v40 =	vmul.f32 v45, v45  }
0x52: {  	v25 =	vsub.f32 v42, v32  }
0x53: {  	v22 =	vld [tilespmem:s18+$0x480];
	v29 =	vsub.f32 v42, v35;
	v26 =	vsub.f32 v42, v26  }
0x54: {  	v23 =	vmul.f32 v43, v43;
	v28 =	vsub.f32 v42, v28;
	v20 =	vsub.f32 v42, v20  }
0x55: {  	v21 =	vsub.f32 v42, v21;
	v31 =	vmul.f32 v44, v44;
	v29 =	vmul.f32 v29, v29  }
0x56: {  	v17 =	vsub.f32 v42, v17;
	v28 =	vmul.f32 v28, v28;
	v25 =	vmul.f32 v25, v25  }
0x57: {  	v18 =	vsub.f32 v42, v18;
	v21 =	vmul.f32 v21, v21;
	v26 =	vmul.f32 v26, v26  }
0x58: {  	v20 =	vmul.f32 v20, v20;
	v24 =	vsub.f32 v22, v24;
	v27 =	vsub.f32 v22, v27  }
0x59: {  	v17 =	vmul.f32 v17, v17;
	v12 =	vsub.f32 v22, v12;
	v13 =	vsub.f32 v22, v13  }
0x5a: {  	v18 =	vmul.f32 v18, v18;
	v14 =	vsub.f32 v22, v14;
	v16 =	vsub.f32 v22, v16  }
0x5b: {  	v15 =	vsub.f32 v22, v15;
	v12 =	vmul.f32 v12, v12;
	v13 =	vmul.f32 v13, v13  }
0x5c: {  	v19 =	vsub.f32 v22, v19;
	v14 =	vmul.f32 v14, v14;
	v16 =	vmul.f32 v16, v16  }
0x5d: {  	v15 =	vmul.f32 v15, v15;
	v12 =	vadd.f32 v12, v17;
	v13 =	vadd.f32 v13, v18  }
0x5e: {  	v17 =	vmul.f32 v27, v27;
	v14 =	vadd.f32 v14, v20;
	v16 =	vadd.f32 v16, v21  }
0x5f: {  	v18 =	vmul.f32 v19, v19;
	v12 =	vadd.f32 v23, v12;
	v13 =	vadd.f32 v31, v13  }
0x60: {  	v15 =	vadd.f32 v15, v26;
	v19 =	vmul.f32 v24, v24;
	v14 =	vadd.f32 v41, v14  }
0x61: {  	v16 =	vadd.f32 v40, v16;
	v18 =	vadd.f32 v18, v28;
	v20 =	vmin.f32 v12, v13  }
0x62: {  	s16 =	sshra.s32 s16, $0x2;
	v15 =	vadd.f32 v39, v15;
	v19 =	vadd.f32 v19, v25;
	v20 =	vmin.f32 v20, v14  }
0x63: {  	v17 =	vadd.f32 v17, v29;
	v21 =	vadd.f32 v38, v18;
	v18 =	vmin.f32 v20, v16;
	v20 =	vld [tilespmem:s16+$0x2400]  }
0x64: {  	v19 =	vadd.f32 v33, v19;
	v18 =	vmin.f32 v18, v15  }
0x65: {  	v22 =	vadd.f32 v30, v17;
	v17 =	vmin.f32 v18, v21  }
0x66: {  	v17 =	vmin.f32 v17, v19  }
0x67: {  	v17 =	vmin.f32 v17, v22  }
0x68: {  	s17 =	sshll.u32 s15, $0x8;
	v17 =	vmin.f32 v20, v17  }
0x69: {  	v5 =	vmin.f32 v5, v12;
	[tilespmem:s16+$0x2400] =	vst v17;
	s16 =	sand.u32 $0x3FFFFF00, s17  }
0x6a: {  	v11 =	vmin.f32 v11, v13;
	[tilespmem:s16+$0x2C00] =	vst v5  }
0x6b: {  	v9 =	vmin.f32 v9, v16;
	[tilespmem:s16+$0x2C10] =	vst v11  }
0x6c: {  	v34 =	vbroadcast v3, $0xE;
	v32 =	vbroadcast v2, $0xF;
	v7 =	vmin.f32 v7, v15;
	[tilespmem:s16+$0x2C30] =	vst v9  }
0x6d: {  	v26 =	vbroadcast v3, $0xB;
	v24 =	vbroadcast v1, $0xF;
	v8 =	vmin.f32 v8, v21;
	[tilespmem:s16+$0x2C40] =	vst v7  }
0x6e: {  	v23 =	vbroadcast v2, $0xC;
	v28 =	vbroadcast v3, $0xC;
	v6 =	vmin.f32 v6, v19;
	[tilespmem:s16+$0x2C50] =	vst v8  }
0x6f: {  	v25 =	vbroadcast v2, $0xD;
	v31 =	vbroadcast v3, $0xD;
	v4 =	vmin.f32 v4, v22;
	s17 =	simm.s32 $0x0;
	[tilespmem:s16+$0x2C60] =	vst v6  }
0x70: {  	v29 =	vbroadcast v2, $0xE;
	v13 =	vbroadcast v2, $0x9;
	v5 =	vmin.f32 v10, v14;
	s31 =	sand.u32 $0x70, s17;
	s19 =	sand.u32 $0x1E00, s17;
	[tilespmem:s16+$0x2C70] =	vst v4  }
0x71: {  	v33 =	vbroadcast v3, $0xF;
	v16 =	vbroadcast v1, $0xD;
	[tilespmem:s16+$0x2C20] =	vst v5;
	s19 =	sor.u32 s31, s19  }
0x72: {  	v15 =	vbroadcast v1, $0xB;
	v18 =	vbroadcast v3, $0x8;
	v4 =	vld [tilespmem:s19+$0x500]  }
0x73: {  	v21 =	vbroadcast v1, $0xE;
	v19 =	vbroadcast v2, $0xB  }
0x74: {  	v22 =	vbroadcast v3, $0xA;
	v20 =	vbroadcast v3, $0x9  }
0x75: {  	v17 =	vbroadcast v2, $0xA;
	v10 =	vbroadcast v2, $0x8  }
0x76: {  	v7 =	vbroadcast v1, $0x9;
	v11 =	vbroadcast v1, $0xA  }
0x77: {  	v14 =	vbroadcast v1, $0xC;
	v2 =	vsub.f32 v4, v33;
	v3 =	vsub.f32 v4, v31  }
0x78: {  	v5 =	vbroadcast v1, $0x8;
	v6 =	vsub.f32 v4, v34;
	v8 =	vsub.f32 v4, v26  }
0x79: {  	v1 =	vimm.f32 $+Inf;
	v9 =	vsub.f32 v4, v28;
	v12 =	vsub.f32 v4, v22  }
0x7a: {  	v39 =	vld [tilespmem:s19+$0x400];
	v40 =	vsub.f32 v4, v18;
	v30 =	vmul.f32 v6, v6;
	v27 =	vmul.f32 v2, v2  }
0x7b: {  	v41 =	vsub.f32 v4, v20;
	v36 =	vmul.f32 v9, v9;
	v35 =	vmul.f32 v3, v3  }
0x7c: {  	v4 =	vimm.f32 $+Inf;
	v38 =	vmul.f32 v12, v12;
	v37 =	vmul.f32 v8, v8  }
0x7d: {  	v12 =	vimm.f32 $+Inf;
	v9 =	vimm.f32 $+Inf;
	v6 =	vimm.f32 $+Inf  }
0x7e: {  	s18 =	simm.s32 $0x10;
	v3 =	vimm.f32 $+Inf;
	v8 =	vimm.f32 $+Inf;
	v2 =	vimm.f32 $+Inf  }
.LBB2_7:
0x7f: {  	p0 =	sne.s32 s18, $0x7F0;
	v42 =	vld [tilespmem:s19+$0x480];
	v40 =	vmul.f32 v40, v40;
	v43 =	vsub.f32 v39, v29;
	v44 =	vsub.f32 v39, v32  }
0x80: {  	v45 =	vsub.f32 v39, v23;
	v46 =	vsub.f32 v39, v25;
	v41 =	vmul.f32 v41, v41  }
0x81: {  	v47 =	vsub.f32 v39, v17;
	v48 =	vsub.f32 v39, v19;
	v44 =	vmul.f32 v44, v44  }
0x82: {  	v49 =	vsub.f32 v39, v10;
	v46 =	vmul.f32 v46, v46;
	v43 =	vmul.f32 v43, v43  }
0x83: {  	v39 =	vsub.f32 v39, v13;
	v48 =	vmul.f32 v48, v48;
	v45 =	vmul.f32 v45, v45  }
0x84: {  	v47 =	vmul.f32 v47, v47;
	v50 =	vsub.f32 v42, v21;
	v51 =	vsub.f32 v42, v24  }
0x85: {  	v49 =	vmul.f32 v49, v49;
	v52 =	vsub.f32 v42, v5;
	v53 =	vsub.f32 v42, v7  }
0x86: {  	v39 =	vmul.f32 v39, v39;
	v54 =	vsub.f32 v42, v11;
	v55 =	vsub.f32 v42, v15  }
0x87: {  	v56 =	vsub.f32 v42, v16;
	v52 =	vmul.f32 v52, v52;
	v53 =	vmul.f32 v53, v53  }
0x88: {  	v42 =	vsub.f32 v42, v14;
	v54 =	vmul.f32 v54, v54;
	v55 =	vmul.f32 v55, v55  }
0x89: {  	v51 =	vmul.f32 v51, v51;
	v49 =	vadd.f32 v52, v49;
	v39 =	vadd.f32 v53, v39  }
0x8a: {  	v42 =	vmul.f32 v42, v42;
	v47 =	vadd.f32 v54, v47;
	v48 =	vadd.f32 v55, v48  }
0x8b: {  	v40 =	vadd.f32 v40, v49;
	v39 =	vadd.f32 v41, v39;
	v41 =	vmul.f32 v56, v56  }
0x8c: {  	v42 =	vadd.f32 v42, v45;
	v45 =	vmul.f32 v50, v50;
	v38 =	vadd.f32 v38, v47  }
0x8d: {  	v37 =	vadd.f32 v37, v48;
	v41 =	vadd.f32 v41, v46;
	v46 =	vmin.f32 v40, v39  }
0x8e: {  	s20 =	sshra.s32 s17, $0x2;
	v36 =	vadd.f32 v36, v42;
	v42 =	vadd.f32 v45, v43;
	v43 =	vmin.f32 v46, v38  }
0x8f: {  	v35 =	vadd.f32 v35, v41;
	v41 =	vadd.f32 v51, v44;
	v43 =	vmin.f32 v43, v37;
	v44 =	vld [tilespmem:s20+$0x2400]  }
0x90: {  	v1 =	vmin.f32 v1, v40;
	v30 =	vadd.f32 v30, v42;
	v40 =	vmin.f32 v43, v36  }
0x91: {  	v12 =	vmin.f32 v12, v39;
	v27 =	vadd.f32 v27, v41;
	v39 =	vmin.f32 v40, v35  }
0x92: {  	v9 =	vmin.f32 v9, v38;
	v6 =	vmin.f32 v6, v37;
	v37 =	vmin.f32 v39, v30  }
0x93: {  	s17 =	sadd.s32 $0x40, s17;
	v3 =	vmin.f32 v3, v36;
	v8 =	vmin.f32 v8, v35;
	v35 =	vmin.f32 v37, v27  }
0x94: {  	s19 =	sand.u32 $0x70, s18;
	s21 =	sand.u32 $0x1E00, s17;
	v4 =	vmin.f32 v4, v30;
	v2 =	vmin.f32 v2, v27;
	v27 =	vmin.f32 v44, v35  }
0x95: {  	s19 =	sor.u32 s19, s21;
	[tilespmem:s20+$0x2400] =	vst v27  }
0x96: {  	v37 =	vld [tilespmem:s19+$0x500];
	_ =	sdelay $0x4  }
0x97: {  	v27 =	vsub.f32 v37, v33  }
.Ltmp2:
0x98: {  	v35 =	vsub.f32 v37, v31;
	v30 =	vsub.f32 v37, v34;
	v39 =	vld [tilespmem:s19+$0x400];
	(pc) =	sbr.rel @p0 .LBB2_7-.Ltmp2, $4  }
0x99: {  	v42 =	vsub.f32 v37, v26;
	v36 =	vsub.f32 v37, v28  }
0x9a: {  	v38 =	vsub.f32 v37, v22;
	v30 =	vmul.f32 v30, v30;
	v27 =	vmul.f32 v27, v27  }
0x9b: {  	v40 =	vsub.f32 v37, v18;
	v36 =	vmul.f32 v36, v36;
	v35 =	vmul.f32 v35, v35  }
0x9c: {  	s18 =	sadd.s32 $0x10, s18;
	v41 =	vsub.f32 v37, v20;
	v38 =	vmul.f32 v38, v38;
	v37 =	vmul.f32 v42, v42  }
0x9d: {  	v22 =	vsub.f32 v39, v29  }
0x9e: {  	v18 =	vld [tilespmem:s19+$0x480];
	v26 =	vsub.f32 v39, v32;
	v23 =	vsub.f32 v39, v23  }
0x9f: {  	v20 =	vmul.f32 v40, v40;
	v25 =	vsub.f32 v39, v25;
	v17 =	vsub.f32 v39, v17  }
0xa0: {  	v19 =	vsub.f32 v39, v19;
	v28 =	vmul.f32 v41, v41;
	v26 =	vmul.f32 v26, v26  }
0xa1: {  	v10 =	vsub.f32 v39, v10;
	v25 =	vmul.f32 v25, v25;
	v22 =	vmul.f32 v22, v22  }
0xa2: {  	v13 =	vsub.f32 v39, v13;
	v19 =	vmul.f32 v19, v19;
	v23 =	vmul.f32 v23, v23  }
0xa3: {  	v17 =	vmul.f32 v17, v17;
	v21 =	vsub.f32 v18, v21;
	v24 =	vsub.f32 v18, v24  }
0xa4: {  	v10 =	vmul.f32 v10, v10;
	v5 =	vsub.f32 v18, v5;
	v7 =	vsub.f32 v18, v7  }
0xa5: {  	v13 =	vmul.f32 v13, v13;
	v11 =	vsub.f32 v18, v11;
	v15 =	vsub.f32 v18, v15  }
0xa6: {  	v16 =	vsub.f32 v18, v16;
	v5 =	vmul.f32 v5, v5;
	v7 =	vmul.f32 v7, v7  }
0xa7: {  	v14 =	vsub.f32 v18, v14;
	v11 =	vmul.f32 v11, v11;
	v15 =	vmul.f32 v15, v15  }
0xa8: {  	v56 =	vmul.f32 v24, v24;
	v5 =	vadd.f32 v5, v10;
	v7 =	vadd.f32 v7, v13  }
0xa9: {  	v14 =	vmul.f32 v14, v14;
	v11 =	vadd.f32 v11, v17;
	v57 =	vadd.f32 v15, v19  }
0xaa: {  	v58 =	vmul.f32 v16, v16;
	v5 =	vadd.f32 v20, v5;
	v7 =	vadd.f32 v28, v7  }
0xab: {  	v59 =	vmul.f32 v21, v21;
	v14 =	vadd.f32 v14, v23;
	v11 =	vadd.f32 v38, v11  }
0xac: {  	v15 =	vadd.f32 v58, v25;
	v13 =	vadd.f32 v37, v57;
	v60 =	vmin.f32 v5, v7  }
0xad: {  	s17 =	sshra.s32 s17, $0x2;
	v16 =	vadd.f32 v59, v22;
	v14 =	vadd.f32 v36, v14;
	v17 =	vmin.f32 v60, v11  }
0xae: {  	v61 =	vld [tilespmem:s17+$0x2400];
	v10 =	vadd.f32 v56, v26;
	v15 =	vadd.f32 v35, v15;
	v17 =	vmin.f32 v17, v13  }
0xaf: {  	v16 =	vadd.f32 v30, v16;
	v17 =	vmin.f32 v17, v14  }
0xb0: {  	v10 =	vadd.f32 v27, v10;
	v17 =	vmin.f32 v17, v15  }
0xb1: {  	v17 =	vmin.f32 v17, v16  }
0xb2: {  	v17 =	vmin.f32 v17, v10  }
0xb3: {  	v17 =	vmin.f32 v61, v17  }
0xb4: {  	v1 =	vmin.f32 v1, v5;
	[tilespmem:s17+$0x2400] =	vst v17  }
0xb5: {  	v62 =	vmin.f32 v12, v7;
	[tilespmem:s16+$0x2C80] =	vst v1  }
0xb6: {  	s15 =	sadd.s32 $0x1, s15;
	v63 =	vmin.f32 v6, v13;
	[tilespmem:s16+$0x2C90] =	vst v62  }
0xb7: {  	p0 =	sne.s32 s15, $0x10;
	v2 =	vmin.f32 v2, v10;
	[tilespmem:s16+$0x2CB0] =	vst v63  }
.Ltmp3:
0xb8: {  	v1 =	vmin.f32 v9, v11;
	[tilespmem:s16+$0x2CF0] =	vst v2;
	(pc) =	sbr.rel @p0 .LBB2_4-.Ltmp3, $4  }
0xb9: {  	[tilespmem:s16+$0x2CA0] =	vst v1;
	v1 =	vmin.f32 v3, v14  }
0xba: {  	v3 =	vmin.f32 v8, v15;
	[tilespmem:s16+$0x2CC0] =	vst v1  }
0xbb: {  	v1 =	vmin.f32 v4, v16;
	[tilespmem:s16+$0x2CD0] =	vst v3  }
0xbc: {  	[tilespmem:s16+$0x2CE0] =	vst v1  }
0xbd: {  	[hbm4b:s5+s10] =	stream.strided.scatter [tilespmem:s11], [sflag:$0x1], $0x1000, s9, s10, $0x38;
	[tilespmem:$0x3C00] =	vst v63  }
0xbe: {  	s13 =	sadd.s32 $0x1, s13;
	_ =	swait.ge [sflag:s8], $0x1000  }
0xbf: {  	p0 =	sne.s32 s13, s7;
	[sflag:s8] =	ssyncset.done $0x0  }
.Ltmp4:
0xc0: {  	[sflag:s8] =	ssyncadd.s32 $0xFFFFF000;
	(pc) =	sbr.rel @p0 .LBB2_1-.Ltmp4, $4  }
0xc1: {  	[hbm4b:s6+s10] =	stream.strided.scatter [tilespmem:s12], [sflag:$0x1], $0x800, s9, s10, $0x38;
	[tilespmem:$0x3C00] =	vst v63  }
0xc2: {  	_ =	swait.ge [sflag:s8], $0x800  }
0xc3: {  	[sflag:s8] =	ssyncset.done $0x0  }
0xc4: {  	[sflag:s8] =	ssyncadd.s32 $0xFFFFF800  }
0xc5: {  	_ =	sfence.sel $0x180000  }
0xc6: {  	[bflag:$0x0] =	sbarrier.arrive $0xFFFF  }
0xc7: {  	p0 =	sne.s32 s0, $0x0;
	_ =	strace $0x90000047  }
0xc8: {  	s0 =	sadd.s32 @!p0 $0x100000, s1;
	[bflag:$0x2] =	sbarrier.arrive $0xFFFF  }
0xc9: {  	[sflag:s0] =	ssyncadd.tile.s32 @!p0 $0x1;
	_ =	shalt  }
.Lfunc_end2:
_tile_overlayer_lowered:
.L_overlay_start_2:
0xca: {  	(tag) =	ssettag $0x2  }
0xcb: {  	s0 =	rddreg [dreg:$0x0];
	s2 =	stileid.u32  }
0xcc: {  	s1 =	rddreg [dreg:$0x1];
	p0 =	sne.s32 s2, $0x0  }
0xcd: {  	s3 =	rddreg [dreg:$0x2];
	[bflag:$0x3] =	sbarrier.arrive $0xFFFF;
	s2 =	simm.s32 @!p0 $0x1C01  }
0xce: {  	[timem:s3], [sflag:s2] =	dma.local @!p0 [hbm:s0], s1  }
0xcf: {  	s0 =	simm.s32 @!p0 $0x1  }
0xd0: {  	_ =	swait.ge @!p0 [sflag:s0], s1  }
0xd1: {  	s1 =	ssub.s32 @!p0 $0x0, s1;
	[sflag:s0] =	ssyncset.done @!p0 $0x0  }
0xd2: {  	[sflag:s0] =	ssyncadd.s32 @!p0 s1  }
0xd3: {  	[bflag:$0x3] =	sbarrier.arrive $0xFFFF  }
0xd4: {  	_ =	shalt  }

</sc_bundles>
